<compile_context>
chip_gen: v7x
topology: tpu7x:2x2x1
jax: 0.10.2.dev20260603
libtpu: 0.0.44.dev20260713+nightly
codegen_flags: <defaults>
</compile_context>

<pallas_src>
import functools

import jax
import jax.numpy as jnp
from jax import lax
from jax.experimental import pallas as pl
from jax.experimental.pallas import tpu as pltpu
from jax.experimental.pallas import tpu_sc as plsc

NC = 2
NS = 16
NW = NC * NS

_mesh = lambda: plsc.VectorSubcoreMesh(core_axis_name="c", subcore_axis_name="s")


def _deg_kernel(n_pad, e, c, n_chunk, rows_per_tile):

    nbuf = 8
    n_grp = n_chunk // nbuf

    @functools.partial(
        pl.kernel,
        mesh=_mesh(),
        out_type=jax.ShapeDtypeStruct((NC * n_pad,), jnp.float32),
        scratch_types=[
            pltpu.VMEM((n_chunk, c), jnp.int32),
            pltpu.VMEM((c,), jnp.float32),
            pltpu.VMEM_SHARED((n_pad,), jnp.float32),
            [pltpu.SemaphoreType.DMA] * nbuf,
        ],
    )
    def k(dst_hbm, zeros_hbm, out_hbm, dsts, ones_v, acc, ssems):
        cid = lax.axis_index("c")
        sid = lax.axis_index("s")
        wid = sid * NC + cid
        for j in range(c // 16):
            ones_v[pl.ds(j * 16, 16)] = jnp.ones((16,), jnp.float32)
        row0 = sid * rows_per_tile
        pltpu.sync_copy(dst_hbm.at[wid], dsts)
        pltpu.sync_copy(zeros_hbm.at[pl.ds(row0, rows_per_tile)],
                        acc.at[pl.ds(row0, rows_per_tile)])
        plsc.subcore_barrier()

        def grp(gi, carry):
            j0 = gi * nbuf
            for b in range(nbuf):
                @pl.when(gi > 0)
                def _retire(b=b):
                    pltpu.make_async_copy(ones_v, acc.at[dsts.at[j0 + b]],
                                          ssems[b]).wait()
                pltpu.async_copy(ones_v, acc.at[dsts.at[j0 + b]], ssems[b],
                                 add=True)
            return carry

        lax.fori_loop(0, n_grp, grp, 0)
        for b in range(nbuf):
            pltpu.make_async_copy(ones_v, acc.at[dsts.at[b]], ssems[b]).wait()
        for j in range(n_grp * nbuf, n_chunk):
            pltpu.sync_copy(ones_v, acc.at[dsts.at[j]], add=True)
        plsc.subcore_barrier()
        pltpu.sync_copy(acc.at[pl.ds(row0, rows_per_tile)],
                        out_hbm.at[pl.ds(cid * n_pad + row0, rows_per_tile)])

    return k


def _edge_kernel(n_pad, d, e, c, n_chunk, rows_per_tile, nbuf):
    n_grp = n_chunk // nbuf

    @functools.partial(
        pl.kernel,
        mesh=_mesh(),
        out_type=jax.ShapeDtypeStruct((NC, n_pad, d), jnp.float32),
        scratch_types=[
            pltpu.VMEM((nbuf, c), jnp.int32),
            pltpu.VMEM((nbuf, c), jnp.int32),
            pltpu.VMEM((nbuf, c, d), jnp.float32),
            pltpu.VMEM_SHARED((n_pad, d), jnp.float32),
            [pltpu.SemaphoreType.DMA] * nbuf,
            [pltpu.SemaphoreType.DMA] * nbuf,
            [pltpu.SemaphoreType.DMA] * nbuf,
            [pltpu.SemaphoreType.DMA] * nbuf,
        ],
    )
    def k(src_hbm, dst_hbm, g_hbm, zeros_hbm, out_hbm,
          srcs, dsts, rows, acc, isems, dsems, rsems, ssems):
        cid = lax.axis_index("c")
        sid = lax.axis_index("s")
        wid = sid * NC + cid
        row0 = sid * rows_per_tile
        base = wid * c * n_chunk
        pltpu.sync_copy(zeros_hbm.at[pl.ds(row0, rows_per_tile)],
                        acc.at[pl.ds(row0, rows_per_tile)])
        plsc.subcore_barrier()

        def grp(gi, carry):
            j0 = base + gi * nbuf * c
            ic, dc, rc = [], [], []
            for b in range(nbuf):
                @pl.when(gi > 0)
                def _retire(b=b):
                    pltpu.make_async_copy(rows.at[b], acc.at[dsts.at[b]],
                                          ssems[b]).wait()
                ic.append(pltpu.async_copy(src_hbm.at[pl.ds(j0 + b * c, c)],
                                           srcs.at[b], isems[b]))
                dc.append(pltpu.async_copy(dst_hbm.at[pl.ds(j0 + b * c, c)],
                                           dsts.at[b], dsems[b]))
            for b in range(nbuf):
                ic[b].wait()
                rc.append(pltpu.async_copy(g_hbm.at[srcs.at[b]], rows.at[b],
                                           rsems[b]))
            for b in range(nbuf):
                rc[b].wait()
                dc[b].wait()
                pltpu.async_copy(rows.at[b], acc.at[dsts.at[b]], ssems[b],
                                 add=True)
            return carry

        lax.fori_loop(0, n_grp, grp, 0)
        for b in range(nbuf):
            pltpu.make_async_copy(rows.at[b], acc.at[dsts.at[b]],
                                  ssems[b]).wait()
        for j in range(n_grp * nbuf, n_chunk):
            pltpu.sync_copy(src_hbm.at[pl.ds(base + j * c, c)], srcs.at[0])
            pltpu.sync_copy(dst_hbm.at[pl.ds(base + j * c, c)], dsts.at[0])
            pltpu.sync_copy(g_hbm.at[srcs.at[0]], rows.at[0])
            pltpu.sync_copy(rows.at[0], acc.at[dsts.at[0]], add=True)
        plsc.subcore_barrier()
        pltpu.sync_copy(acc.at[pl.ds(row0, rows_per_tile)],
                        out_hbm.at[cid, pl.ds(row0, rows_per_tile)])

    return k


def _matmul_kernel(n, d, bn):

    def body(x_ref, w_ref, h_ref):
        h_ref[...] = jnp.dot(x_ref[...], w_ref[...],
                             preferred_element_type=jnp.float32)

    grid = (n // bn,)
    return pl.pallas_call(
        body,
        grid=grid,
        in_specs=[
            pl.BlockSpec((bn, d), lambda i: (i, 0)),
            pl.BlockSpec((d, d), lambda i: (0, 0)),
        ],
        out_specs=pl.BlockSpec((bn, d), lambda i: (i, 0)),
        out_shape=jax.ShapeDtypeStruct((n, d), jnp.float32),
    )


def _scale_kernel(n, d, bn):

    def body(degt_ref, h_ref, g_ref, dinv_ref):
        deg = degt_ref[:, 0:1] + degt_ref[:, 1:2] + 1.0
        dinv = lax.rsqrt(deg)
        g_ref[...] = h_ref[...] * dinv
        dinv_ref[...] = dinv

    grid = (n // bn,)
    return pl.pallas_call(
        body,
        grid=grid,
        in_specs=[
            pl.BlockSpec((bn, 2), lambda i: (i, 0)),
            pl.BlockSpec((bn, d), lambda i: (i, 0)),
        ],
        out_specs=[
            pl.BlockSpec((bn, d), lambda i: (i, 0)),
            pl.BlockSpec((bn, 1), lambda i: (i, 0)),
        ],
        out_shape=[
            jax.ShapeDtypeStruct((n, d), jnp.float32),
            jax.ShapeDtypeStruct((n, 1), jnp.float32),
        ],
    )


def _combine_kernel(n, n_pad, d, bn):

    def body(a0_ref, a1_ref, g_ref, dinv_ref, b_ref, out_ref):
        s = a0_ref[...] + a1_ref[...] + g_ref[...]
        out_ref[...] = s * dinv_ref[...] + b_ref[...]

    grid = (n // bn,)
    return pl.pallas_call(
        body,
        grid=grid,
        in_specs=[
            pl.BlockSpec((bn, d), lambda i: (i, 0)),
            pl.BlockSpec((bn, d), lambda i: (i, 0)),
            pl.BlockSpec((bn, d), lambda i: (i, 0)),
            pl.BlockSpec((bn, 1), lambda i: (i, 0)),
            pl.BlockSpec((1, d), lambda i: (0, 0)),
        ],
        out_specs=pl.BlockSpec((bn, d), lambda i: (i, 0)),
        out_shape=jax.ShapeDtypeStruct((n, d), jnp.float32),
    )


def kernel(x, edge_index, W, b):
    n, d_in = x.shape
    d = W.shape[1]
    e = edge_index.shape[1]

    rows_per_tile = -(-n // NS)
    rows_per_tile = ((rows_per_tile + 127) // 128) * 128
    n_pad = rows_per_tile * NS

    c = 80
    n_chunk = -(-e // (NW * c))
    e_pad = NW * n_chunk * c

    src = edge_index[0]
    dst = edge_index[1]
    if e_pad > e:
        pad_i = jnp.arange(e_pad - e, dtype=jnp.int32)
        src = jnp.concatenate([src, pad_i % n])
        dst = jnp.concatenate([dst, n + pad_i % (n_pad - n)])
    dst3 = dst.reshape(NW, n_chunk, c)
    zeros1 = jnp.zeros((n_pad,), jnp.float32)
    zeros2 = jnp.zeros((n_pad, d), jnp.float32)

    bn = 2000
    h = _matmul_kernel(n, d, bn)(x, W)
    degp = _deg_kernel(n_pad, e_pad, c, n_chunk, rows_per_tile)(dst3, zeros1)
    degt = degp.reshape(NC, n_pad).T[:n]

    g, dinv = _scale_kernel(n, d, bn)(degt, h)

    nbuf = 4
    accp = _edge_kernel(n_pad, d, e_pad, c, n_chunk, rows_per_tile,
                        nbuf)(src, dst, g, zeros2)

    out = _combine_kernel(n, n_pad, d, bn)(
        accp[0], accp[1], g, dinv, b.reshape(1, d))
    return out

# --- scband reference (transcript-rebuilt; emitter-appended) ---
"""Pipeline reference for scband-flexible-gnn-77884936946217 (READ-ONLY COPY).

The authoritative reference and input builder live on the scoring server;
editing this copy changes nothing except your own understanding.
"""

import jax, jax.numpy as jnp
import numpy as np
import math

N = 10000
E = 320000
D_IN = 128
D_OUT = 128

def setup_inputs(seed: int = 0) -> dict:
    key = jax.random.key(seed)
    k1, k2, k3 = jax.random.split(key, 3)
    x = jax.random.normal(k1, (N, D_IN), dtype=jnp.float32)
    edge_index = jax.random.randint(k2, (2, E), 0, N, dtype=jnp.int32)
    # GCNConv linear weight, xavier_uniform; bias zeros (per init_weights)
    limit = math.sqrt(6.0 / (D_IN + D_OUT))
    W = jax.random.uniform(k3, (D_IN, D_OUT), minval=-limit, maxval=limit, dtype=jnp.float32)
    b = jnp.zeros((D_OUT,), dtype=jnp.float32)
    return {"x": x, "edge_index": edge_index, "W": W, "b": b}

def reference(x, edge_index, W, b):
    # Single-layer FlexibleGNN with gnn_type='GCN', num_layers=1, activation='none':
    # out = GCNConv(x, edge_index) with symmetric normalization and self-loops (PyG semantics).
    n = x.shape[0]
    src = edge_index[0]
    dst = edge_index[1]
    loop = jnp.arange(n, dtype=src.dtype)
    src = jnp.concatenate([src, loop])
    dst = jnp.concatenate([dst, loop])
    ones = jnp.ones(src.shape[0], dtype=x.dtype)
    deg = jax.ops.segment_sum(ones, dst, num_segments=n)
    dinv = jnp.where(deg > 0, jax.lax.rsqrt(deg), 0.0)
    norm = dinv[src] * dinv[dst]
    h = x @ W
    msg = h[src] * norm[:, None]
    out = jax.ops.segment_sum(msg, dst, num_segments=n)
    out = out + b
    return out

if __name__ == "__main__":
    import jax
    _d = setup_inputs()
    print(jax.jit(kernel)(*tuple(_d.values())))

</pallas_src>

<mosaic_0001>
#map = affine_map<(d0, d1) -> (0)>
#map1 = affine_map<(d0, d1) -> (0, 0)>
#map2 = affine_map<(d0, d1) -> (0, 0, 0)>
module attributes {stable_mosaic.version = 14 : i64} {
  func.func @k(%arg0: i32, %arg1: i32, %arg2: memref<320000xi32, #tpu.memory_space<hbm>>, %arg3: memref<320000xi32, #tpu.memory_space<hbm>>, %arg4: memref<10000x128xf32, #tpu.memory_space<hbm>>, %arg5: memref<10240x128xf32, #tpu.memory_space<hbm>>, %arg6: memref<2x10240x128xf32, #tpu.memory_space<hbm>>, %arg7: memref<4x80xi32, #tpu.memory_space<vmem>>, %arg8: memref<4x80xi32, #tpu.memory_space<vmem>>, %arg9: memref<4x80x128xf32, #tpu.memory_space<vmem>>, %arg10: memref<10240x128xf32, #tpu.memory_space<vmem_shared>>, %arg11: memref<!tpu.dma_semaphore, #tpu.memory_space<semaphore_mem>>, %arg12: memref<!tpu.dma_semaphore, #tpu.memory_space<semaphore_mem>>, %arg13: memref<!tpu.dma_semaphore, #tpu.memory_space<semaphore_mem>>, %arg14: memref<!tpu.dma_semaphore, #tpu.memory_space<semaphore_mem>>, %arg15: memref<!tpu.dma_semaphore, #tpu.memory_space<semaphore_mem>>, %arg16: memref<!tpu.dma_semaphore, #tpu.memory_space<semaphore_mem>>, %arg17: memref<!tpu.dma_semaphore, #tpu.memory_space<semaphore_mem>>, %arg18: memref<!tpu.dma_semaphore, #tpu.memory_space<semaphore_mem>>, %arg19: memref<!tpu.dma_semaphore, #tpu.memory_space<semaphore_mem>>, %arg20: memref<!tpu.dma_semaphore, #tpu.memory_space<semaphore_mem>>, %arg21: memref<!tpu.dma_semaphore, #tpu.memory_space<semaphore_mem>>, %arg22: memref<!tpu.dma_semaphore, #tpu.memory_space<semaphore_mem>>, %arg23: memref<!tpu.dma_semaphore, #tpu.memory_space<semaphore_mem>>, %arg24: memref<!tpu.dma_semaphore, #tpu.memory_space<semaphore_mem>>, %arg25: memref<!tpu.dma_semaphore, #tpu.memory_space<semaphore_mem>>, %arg26: memref<!tpu.dma_semaphore, #tpu.memory_space<semaphore_mem>>) attributes {dimension_semantics = [#tpu.dimension_semantics<core_parallel>, #tpu.dimension_semantics<subcore_parallel>], iteration_bounds = array<i64: 2, 16>, scalar_prefetch = 0 : i64, scratch_operands = 20 : i64, tpu.core_type = #tpu.core_type<sc_vector_subcore>, window_params = [{transform_indices = #map}, {transform_indices = #map}, {transform_indices = #map1}, {transform_indices = #map1}, {transform_indices = #map2}]} {
    %mul3A = arith.constant 2 : i32
    %mul3A_0 = arith.muli %arg1, %mul3A : i32
    %add3A = arith.addi %mul3A_0, %arg0 : i32
    %mul3A_1 = arith.constant 640 : i32
    %mul3A_2 = arith.muli %arg1, %mul3A_1 : i32
    %mul3A_3 = arith.constant 80 : i32
    %mul3A_4 = arith.muli %add3A, %mul3A_3 : i32
    %mul3A_5 = arith.constant 125 : i32
    %mul3A_6 = arith.muli %mul3A_4, %mul3A_5 : i32
    "tpu.region"() ({
      %run_scoped3A_69 = tpu.sem_alloc : memref<!tpu.dma_semaphore, #tpu.memory_space<semaphore_mem>>
      %dma_start3A = arith.constant 0 : i32
      %dma_start3A_70 = tpu.memref_slice %arg10[%mul3A_2, %dma_start3A] : memref<10240x128xf32, #tpu.memory_space<vmem_shared>> -> memref<640x128xf32, #tpu.memory_space<vmem_shared>>
      %dma_start3A_71 = arith.constant 0 : i32
      %dma_start3A_72 = tpu.memref_slice %arg5[%mul3A_2, %dma_start3A_71] : memref<10240x128xf32, #tpu.memory_space<hbm>> -> memref<640x128xf32, #tpu.memory_space<hbm>>
      tpu.enqueue_dma source(%dma_start3A_72 : memref<640x128xf32, #tpu.memory_space<hbm>>) target(%dma_start3A_70 : memref<640x128xf32, #tpu.memory_space<vmem_shared>>) target_semaphore(%run_scoped3A_69 : memref<!tpu.dma_semaphore, #tpu.memory_space<semaphore_mem>>)
      %dma_wait3A_73 = arith.constant 0 : i32
      %dma_wait3A_74 = tpu.memref_slice %arg10[%mul3A_2, %dma_wait3A_73] : memref<10240x128xf32, #tpu.memory_space<vmem_shared>> -> memref<640x128xf32, #tpu.memory_space<vmem_shared>>
      %dma_wait3A_75 = arith.constant 0 : i32
      %dma_wait3A_76 = tpu.memref_slice %arg5[%mul3A_2, %dma_wait3A_75] : memref<10240x128xf32, #tpu.memory_space<hbm>> -> memref<640x128xf32, #tpu.memory_space<hbm>>
      tpu.wait_dma2 semaphore(%run_scoped3A_69 : memref<!tpu.dma_semaphore, #tpu.memory_space<semaphore_mem>>) src(%dma_wait3A_76 : memref<640x128xf32, #tpu.memory_space<hbm>>) dst(%dma_wait3A_74 : memref<640x128xf32, #tpu.memory_space<vmem_shared>>)
      tpu.yield
    }) : () -> ()
    %barrier3A = arith.constant 0 : index
    tpu.barrier barrier_id(%barrier3A)
    %scan3A = arith.constant 0 : i32
    %scan3A_7 = arith.constant 0 : i32
    %scan3A_8 = arith.constant 31 : i32
    %scan3A_9 = arith.addi %scan3A_7, %scan3A_8 : i32
    %scan3A_10 = arith.constant 1 : i32
    scf.for %scan3A_69 = %scan3A_7 to %scan3A_9 step %scan3A_10  : i32 {
      %mul3A_70 = arith.constant 4 : i32
      %mul3A_71 = arith.muli %scan3A_69, %mul3A_70 : i32
      %mul3A_72 = arith.constant 80 : i32
      %mul3A_73 = arith.muli %mul3A_71, %mul3A_72 : i32
      %add3A_74 = arith.addi %mul3A_6, %mul3A_73 : i32
      %gt3A = arith.constant 0 : i32
      %gt3A_75 = arith.cmpi sgt, %scan3A_69, %gt3A : i32
      %convert_element_type3A = arith.extui %gt3A_75 : i1 to i32
      %cond3A = arith.constant 0 : i32
      %cond3A_76 = arith.cmpi ne, %convert_element_type3A, %cond3A : i32
      scf.if %cond3A_76 {
        %dma_wait3A_395 = arith.constant 0 : i32
        %dma_wait3A_396 = arith.constant 0 : i32
        %dma_wait3A_397 = arith.constant 0 : i32
        %dma_wait3A_398 = arith.constant 0 : i32
        %dma_wait3A_399 = tpu.memref_slice %arg9[%dma_wait3A_395, %dma_wait3A_397, %dma_wait3A_398] : memref<4x80x128xf32, #tpu.memory_space<vmem>> -> memref<1x80x128xf32, #tpu.memory_space<vmem>>
        %dma_wait3A_400 = tpu.memref_squeeze %dma_wait3A_399 : memref<1x80x128xf32, #tpu.memory_space<vmem>> -> memref<80x128xf32, #tpu.memory_space<vmem>>
        %dma_wait3A_401 = arith.constant 0 : i32
        %dma_wait3A_402 = tpu.memref_slice %arg8[%dma_wait3A_396, %dma_wait3A_401] : memref<4x80xi32, #tpu.memory_space<vmem>> -> memref<1x80xi32, #tpu.memory_space<vmem>>
        %dma_wait3A_403 = tpu.memref_squeeze %dma_wait3A_402 : memref<1x80xi32, #tpu.memory_space<vmem>> -> memref<80xi32, #tpu.memory_space<vmem>>
        %dma_wait3A_404 = arith.constant 0 : i32
        %dma_wait3A_405 = arith.constant 0 : i32
        %dma_wait3A_406 = tpu.memref_slice %arg10[%dma_wait3A_404, %dma_wait3A_405] : memref<10240x128xf32, #tpu.memory_space<vmem_shared>> -> memref<10240x128xf32, #tpu.memory_space<vmem_shared>>
        tpu.wait_indirect_dma semaphore(%arg23 : memref<!tpu.dma_semaphore, #tpu.memory_space<semaphore_mem>>) src(%dma_wait3A_400 : memref<80x128xf32, #tpu.memory_space<vmem>>) dst(%dma_wait3A_406 : memref<10240x128xf32, #tpu.memory_space<vmem_shared>>)
      } else {
      }
      %add3A_77 = arith.constant 0 : i32
      %add3A_78 = arith.addi %add3A_74, %add3A_77 : i32
      %dma_start3A = arith.constant 0 : i32
      %dma_start3A_79 = arith.constant 0 : i32
      %dma_start3A_80 = tpu.memref_slice %arg7[%dma_start3A, %dma_start3A_79] : memref<4x80xi32, #tpu.memory_space<vmem>> -> memref<1x80xi32, #tpu.memory_space<vmem>>
      %dma_start3A_81 = tpu.memref_squeeze %dma_start3A_80 : memref<1x80xi32, #tpu.memory_space<vmem>> -> memref<80xi32, #tpu.memory_space<vmem>>
      %dma_start3A_82 = tpu.memref_slice %arg2[%add3A_78] : memref<320000xi32, #tpu.memory_space<hbm>> -> memref<80xi32, #tpu.memory_space<hbm>>
      %dma_start3A_83 = arith.constant 0 : i32
      %dma_start3A_84 = tpu.memref_slice %arg7[%dma_start3A, %dma_start3A_83] : memref<4x80xi32, #tpu.memory_space<vmem>> -> memref<1x80xi32, #tpu.memory_space<vmem>>
      %dma_start3A_85 = tpu.memref_squeeze %dma_start3A_84 : memref<1x80xi32, #tpu.memory_space<vmem>> -> memref<80xi32, #tpu.memory_space<vmem>>
      %dma_start3A_86 = tpu.memref_slice %arg2[%add3A_78] : memref<320000xi32, #tpu.memory_space<hbm>> -> memref<80xi32, #tpu.memory_space<hbm>>
      tpu.enqueue_dma source(%dma_start3A_86 : memref<80xi32, #tpu.memory_space<hbm>>) target(%dma_start3A_85 : memref<80xi32, #tpu.memory_space<vmem>>) target_semaphore(%arg11 : memref<!tpu.dma_semaphore, #tpu.memory_space<semaphore_mem>>)
      %add3A_87 = arith.constant 0 : i32
      %add3A_88 = arith.addi %add3A_74, %add3A_87 : i32
      %dma_start3A_89 = arith.constant 0 : i32
      %dma_start3A_90 = arith.constant 0 : i32
      %dma_start3A_91 = tpu.memref_slice %arg8[%dma_start3A_89, %dma_start3A_90] : memref<4x80xi32, #tpu.memory_space<vmem>> -> memref<1x80xi32, #tpu.memory_space<vmem>>
      %dma_start3A_92 = tpu.memref_squeeze %dma_start3A_91 : memref<1x80xi32, #tpu.memory_space<vmem>> -> memref<80xi32, #tpu.memory_space<vmem>>
      %dma_start3A_93 = tpu.memref_slice %arg3[%add3A_88] : memref<320000xi32, #tpu.memory_space<hbm>> -> memref<80xi32, #tpu.memory_space<hbm>>
      %dma_start3A_94 = arith.constant 0 : i32
      %dma_start3A_95 = tpu.memref_slice %arg8[%dma_start3A_89, %dma_start3A_94] : memref<4x80xi32, #tpu.memory_space<vmem>> -> memref<1x80xi32, #tpu.memory_space<vmem>>
      %dma_start3A_96 = tpu.memref_squeeze %dma_start3A_95 : memref<1x80xi32, #tpu.memory_space<vmem>> -> memref<80xi32, #tpu.memory_space<vmem>>
      %dma_start3A_97 = tpu.memref_slice %arg3[%add3A_88] : memref<320000xi32, #tpu.memory_space<hbm>> -> memref<80xi32, #tpu.memory_space<hbm>>
      tpu.enqueue_dma source(%dma_start3A_97 : memref<80xi32, #tpu.memory_space<hbm>>) target(%dma_start3A_96 : memref<80xi32, #tpu.memory_space<vmem>>) target_semaphore(%arg15 : memref<!tpu.dma_semaphore, #tpu.memory_space<semaphore_mem>>)
      %gt3A_98 = arith.constant 0 : i32
      %gt3A_99 = arith.cmpi sgt, %scan3A_69, %gt3A_98 : i32
      %convert_element_type3A_100 = arith.extui %gt3A_99 : i1 to i32
      %cond3A_101 = arith.constant 0 : i32
      %cond3A_102 = arith.cmpi ne, %convert_element_type3A_100, %cond3A_101 : i32
      scf.if %cond3A_102 {
        %dma_wait3A_395 = arith.constant 1 : i32
        %dma_wait3A_396 = arith.constant 1 : i32
        %dma_wait3A_397 = arith.constant 0 : i32
        %dma_wait3A_398 = arith.constant 0 : i32
        %dma_wait3A_399 = tpu.memref_slice %arg9[%dma_wait3A_395, %dma_wait3A_397, %dma_wait3A_398] : memref<4x80x128xf32, #tpu.memory_space<vmem>> -> memref<1x80x128xf32, #tpu.memory_space<vmem>>
        %dma_wait3A_400 = tpu.memref_squeeze %dma_wait3A_399 : memref<1x80x128xf32, #tpu.memory_space<vmem>> -> memref<80x128xf32, #tpu.memory_space<vmem>>
        %dma_wait3A_401 = arith.constant 0 : i32
        %dma_wait3A_402 = tpu.memref_slice %arg8[%dma_wait3A_396, %dma_wait3A_401] : memref<4x80xi32, #tpu.memory_space<vmem>> -> memref<1x80xi32, #tpu.memory_space<vmem>>
        %dma_wait3A_403 = tpu.memref_squeeze %dma_wait3A_402 : memref<1x80xi32, #tpu.memory_space<vmem>> -> memref<80xi32, #tpu.memory_space<vmem>>
        %dma_wait3A_404 = arith.constant 0 : i32
        %dma_wait3A_405 = arith.constant 0 : i32
        %dma_wait3A_406 = tpu.memref_slice %arg10[%dma_wait3A_404, %dma_wait3A_405] : memref<10240x128xf32, #tpu.memory_space<vmem_shared>> -> memref<10240x128xf32, #tpu.memory_space<vmem_shared>>
        tpu.wait_indirect_dma semaphore(%arg24 : memref<!tpu.dma_semaphore, #tpu.memory_space<semaphore_mem>>) src(%dma_wait3A_400 : memref<80x128xf32, #tpu.memory_space<vmem>>) dst(%dma_wait3A_406 : memref<10240x128xf32, #tpu.memory_space<vmem_shared>>)
      } else {
      }
      %add3A_103 = arith.constant 80 : i32
      %add3A_104 = arith.addi %add3A_74, %add3A_103 : i32
      %dma_start3A_105 = arith.constant 1 : i32
      %dma_start3A_106 = arith.constant 0 : i32
      %dma_start3A_107 = tpu.memref_slice %arg7[%dma_start3A_105, %dma_start3A_106] : memref<4x80xi32, #tpu.memory_space<vmem>> -> memref<1x80xi32, #tpu.memory_space<vmem>>
      %dma_start3A_108 = tpu.memref_squeeze %dma_start3A_107 : memref<1x80xi32, #tpu.memory_space<vmem>> -> memref<80xi32, #tpu.memory_space<vmem>>
      %dma_start3A_109 = tpu.memref_slice %arg2[%add3A_104] : memref<320000xi32, #tpu.memory_space<hbm>> -> memref<80xi32, #tpu.memory_space<hbm>>
      %dma_start3A_110 = arith.constant 0 : i32
      %dma_start3A_111 = tpu.memref_slice %arg7[%dma_start3A_105, %dma_start3A_110] : memref<4x80xi32, #tpu.memory_space<vmem>> -> memref<1x80xi32, #tpu.memory_space<vmem>>
      %dma_start3A_112 = tpu.memref_squeeze %dma_start3A_111 : memref<1x80xi32, #tpu.memory_space<vmem>> -> memref<80xi32, #tpu.memory_space<vmem>>
      %dma_start3A_113 = tpu.memref_slice %arg2[%add3A_104] : memref<320000xi32, #tpu.memory_space<hbm>> -> memref<80xi32, #tpu.memory_space<hbm>>
      tpu.enqueue_dma source(%dma_start3A_113 : memref<80xi32, #tpu.memory_space<hbm>>) target(%dma_start3A_112 : memref<80xi32, #tpu.memory_space<vmem>>) target_semaphore(%arg12 : memref<!tpu.dma_semaphore, #tpu.memory_space<semaphore_mem>>)
      %add3A_114 = arith.constant 80 : i32
      %add3A_115 = arith.addi %add3A_74, %add3A_114 : i32
      %dma_start3A_116 = arith.constant 1 : i32
      %dma_start3A_117 = arith.constant 0 : i32
      %dma_start3A_118 = tpu.memref_slice %arg8[%dma_start3A_116, %dma_start3A_117] : memref<4x80xi32, #tpu.memory_space<vmem>> -> memref<1x80xi32, #tpu.memory_space<vmem>>
      %dma_start3A_119 = tpu.memref_squeeze %dma_start3A_118 : memref<1x80xi32, #tpu.memory_space<vmem>> -> memref<80xi32, #tpu.memory_space<vmem>>
      %dma_start3A_120 = tpu.memref_slice %arg3[%add3A_115] : memref<320000xi32, #tpu.memory_space<hbm>> -> memref<80xi32, #tpu.memory_space<hbm>>
      %dma_start3A_121 = arith.constant 0 : i32
      %dma_start3A_122 = tpu.memref_slice %arg8[%dma_start3A_116, %dma_start3A_121] : memref<4x80xi32, #tpu.memory_space<vmem>> -> memref<1x80xi32, #tpu.memory_space<vmem>>
      %dma_start3A_123 = tpu.memref_squeeze %dma_start3A_122 : memref<1x80xi32, #tpu.memory_space<vmem>> -> memref<80xi32, #tpu.memory_space<vmem>>
      %dma_start3A_124 = tpu.memref_slice %arg3[%add3A_115] : memref<320000xi32, #tpu.memory_space<hbm>> -> memref<80xi32, #tpu.memory_space<hbm>>
      tpu.enqueue_dma source(%dma_start3A_124 : memref<80xi32, #tpu.memory_space<hbm>>) target(%dma_start3A_123 : memref<80xi32, #tpu.memory_space<vmem>>) target_semaphore(%arg16 : memref<!tpu.dma_semaphore, #tpu.memory_space<semaphore_mem>>)
      %gt3A_125 = arith.constant 0 : i32
      %gt3A_126 = arith.cmpi sgt, %scan3A_69, %gt3A_125 : i32
      %convert_element_type3A_127 = arith.extui %gt3A_126 : i1 to i32
      %cond3A_128 = arith.constant 0 : i32
      %cond3A_129 = arith.cmpi ne, %convert_element_type3A_127, %cond3A_128 : i32
      scf.if %cond3A_129 {
        %dma_wait3A_395 = arith.constant 2 : i32
        %dma_wait3A_396 = arith.constant 2 : i32
        %dma_wait3A_397 = arith.constant 0 : i32
        %dma_wait3A_398 = arith.constant 0 : i32
        %dma_wait3A_399 = tpu.memref_slice %arg9[%dma_wait3A_395, %dma_wait3A_397, %dma_wait3A_398] : memref<4x80x128xf32, #tpu.memory_space<vmem>> -> memref<1x80x128xf32, #tpu.memory_space<vmem>>
        %dma_wait3A_400 = tpu.memref_squeeze %dma_wait3A_399 : memref<1x80x128xf32, #tpu.memory_space<vmem>> -> memref<80x128xf32, #tpu.memory_space<vmem>>
        %dma_wait3A_401 = arith.constant 0 : i32
        %dma_wait3A_402 = tpu.memref_slice %arg8[%dma_wait3A_396, %dma_wait3A_401] : memref<4x80xi32, #tpu.memory_space<vmem>> -> memref<1x80xi32, #tpu.memory_space<vmem>>
        %dma_wait3A_403 = tpu.memref_squeeze %dma_wait3A_402 : memref<1x80xi32, #tpu.memory_space<vmem>> -> memref<80xi32, #tpu.memory_space<vmem>>
        %dma_wait3A_404 = arith.constant 0 : i32
        %dma_wait3A_405 = arith.constant 0 : i32
        %dma_wait3A_406 = tpu.memref_slice %arg10[%dma_wait3A_404, %dma_wait3A_405] : memref<10240x128xf32, #tpu.memory_space<vmem_shared>> -> memref<10240x128xf32, #tpu.memory_space<vmem_shared>>
        tpu.wait_indirect_dma semaphore(%arg25 : memref<!tpu.dma_semaphore, #tpu.memory_space<semaphore_mem>>) src(%dma_wait3A_400 : memref<80x128xf32, #tpu.memory_space<vmem>>) dst(%dma_wait3A_406 : memref<10240x128xf32, #tpu.memory_space<vmem_shared>>)
      } else {
      }
      %add3A_130 = arith.constant 160 : i32
      %add3A_131 = arith.addi %add3A_74, %add3A_130 : i32
      %dma_start3A_132 = arith.constant 2 : i32
      %dma_start3A_133 = arith.constant 0 : i32
      %dma_start3A_134 = tpu.memref_slice %arg7[%dma_start3A_132, %dma_start3A_133] : memref<4x80xi32, #tpu.memory_space<vmem>> -> memref<1x80xi32, #tpu.memory_space<vmem>>
      %dma_start3A_135 = tpu.memref_squeeze %dma_start3A_134 : memref<1x80xi32, #tpu.memory_space<vmem>> -> memref<80xi32, #tpu.memory_space<vmem>>
      %dma_start3A_136 = tpu.memref_slice %arg2[%add3A_131] : memref<320000xi32, #tpu.memory_space<hbm>> -> memref<80xi32, #tpu.memory_space<hbm>>
      %dma_start3A_137 = arith.constant 0 : i32
      %dma_start3A_138 = tpu.memref_slice %arg7[%dma_start3A_132, %dma_start3A_137] : memref<4x80xi32, #tpu.memory_space<vmem>> -> memref<1x80xi32, #tpu.memory_space<vmem>>
      %dma_start3A_139 = tpu.memref_squeeze %dma_start3A_138 : memref<1x80xi32, #tpu.memory_space<vmem>> -> memref<80xi32, #tpu.memory_space<vmem>>
      %dma_start3A_140 = tpu.memref_slice %arg2[%add3A_131] : memref<320000xi32, #tpu.memory_space<hbm>> -> memref<80xi32, #tpu.memory_space<hbm>>
      tpu.enqueue_dma source(%dma_start3A_140 : memref<80xi32, #tpu.memory_space<hbm>>) target(%dma_start3A_139 : memref<80xi32, #tpu.memory_space<vmem>>) target_semaphore(%arg13 : memref<!tpu.dma_semaphore, #tpu.memory_space<semaphore_mem>>)
      %add3A_141 = arith.constant 160 : i32
      %add3A_142 = arith.addi %add3A_74, %add3A_141 : i32
      %dma_start3A_143 = arith.constant 2 : i32
      %dma_start3A_144 = arith.constant 0 : i32
      %dma_start3A_145 = tpu.memref_slice %arg8[%dma_start3A_143, %dma_start3A_144] : memref<4x80xi32, #tpu.memory_space<vmem>> -> memref<1x80xi32, #tpu.memory_space<vmem>>
      %dma_start3A_146 = tpu.memref_squeeze %dma_start3A_145 : memref<1x80xi32, #tpu.memory_space<vmem>> -> memref<80xi32, #tpu.memory_space<vmem>>
      %dma_start3A_147 = tpu.memref_slice %arg3[%add3A_142] : memref<320000xi32, #tpu.memory_space<hbm>> -> memref<80xi32, #tpu.memory_space<hbm>>
      %dma_start3A_148 = arith.constant 0 : i32
      %dma_start3A_149 = tpu.memref_slice %arg8[%dma_start3A_143, %dma_start3A_148] : memref<4x80xi32, #tpu.memory_space<vmem>> -> memref<1x80xi32, #tpu.memory_space<vmem>>
      %dma_start3A_150 = tpu.memref_squeeze %dma_start3A_149 : memref<1x80xi32, #tpu.memory_space<vmem>> -> memref<80xi32, #tpu.memory_space<vmem>>
      %dma_start3A_151 = tpu.memref_slice %arg3[%add3A_142] : memref<320000xi32, #tpu.memory_space<hbm>> -> memref<80xi32, #tpu.memory_space<hbm>>
      tpu.enqueue_dma source(%dma_start3A_151 : memref<80xi32, #tpu.memory_space<hbm>>) target(%dma_start3A_150 : memref<80xi32, #tpu.memory_space<vmem>>) target_semaphore(%arg17 : memref<!tpu.dma_semaphore, #tpu.memory_space<semaphore_mem>>)
      %gt3A_152 = arith.constant 0 : i32
      %gt3A_153 = arith.cmpi sgt, %scan3A_69, %gt3A_152 : i32
      %convert_element_type3A_154 = arith.extui %gt3A_153 : i1 to i32
      %cond3A_155 = arith.constant 0 : i32
      %cond3A_156 = arith.cmpi ne, %convert_element_type3A_154, %cond3A_155 : i32
      scf.if %cond3A_156 {
        %dma_wait3A_395 = arith.constant 3 : i32
        %dma_wait3A_396 = arith.constant 3 : i32
        %dma_wait3A_397 = arith.constant 0 : i32
        %dma_wait3A_398 = arith.constant 0 : i32
        %dma_wait3A_399 = tpu.memref_slice %arg9[%dma_wait3A_395, %dma_wait3A_397, %dma_wait3A_398] : memref<4x80x128xf32, #tpu.memory_space<vmem>> -> memref<1x80x128xf32, #tpu.memory_space<vmem>>
        %dma_wait3A_400 = tpu.memref_squeeze %dma_wait3A_399 : memref<1x80x128xf32, #tpu.memory_space<vmem>> -> memref<80x128xf32, #tpu.memory_space<vmem>>
        %dma_wait3A_401 = arith.constant 0 : i32
        %dma_wait3A_402 = tpu.memref_slice %arg8[%dma_wait3A_396, %dma_wait3A_401] : memref<4x80xi32, #tpu.memory_space<vmem>> -> memref<1x80xi32, #tpu.memory_space<vmem>>
        %dma_wait3A_403 = tpu.memref_squeeze %dma_wait3A_402 : memref<1x80xi32, #tpu.memory_space<vmem>> -> memref<80xi32, #tpu.memory_space<vmem>>
        %dma_wait3A_404 = arith.constant 0 : i32
        %dma_wait3A_405 = arith.constant 0 : i32
        %dma_wait3A_406 = tpu.memref_slice %arg10[%dma_wait3A_404, %dma_wait3A_405] : memref<10240x128xf32, #tpu.memory_space<vmem_shared>> -> memref<10240x128xf32, #tpu.memory_space<vmem_shared>>
        tpu.wait_indirect_dma semaphore(%arg26 : memref<!tpu.dma_semaphore, #tpu.memory_space<semaphore_mem>>) src(%dma_wait3A_400 : memref<80x128xf32, #tpu.memory_space<vmem>>) dst(%dma_wait3A_406 : memref<10240x128xf32, #tpu.memory_space<vmem_shared>>)
      } else {
      }
      %add3A_157 = arith.constant 240 : i32
      %add3A_158 = arith.addi %add3A_74, %add3A_157 : i32
      %dma_start3A_159 = arith.constant 3 : i32
      %dma_start3A_160 = arith.constant 0 : i32
      %dma_start3A_161 = tpu.memref_slice %arg7[%dma_start3A_159, %dma_start3A_160] : memref<4x80xi32, #tpu.memory_space<vmem>> -> memref<1x80xi32, #tpu.memory_space<vmem>>
      %dma_start3A_162 = tpu.memref_squeeze %dma_start3A_161 : memref<1x80xi32, #tpu.memory_space<vmem>> -> memref<80xi32, #tpu.memory_space<vmem>>
      %dma_start3A_163 = tpu.memref_slice %arg2[%add3A_158] : memref<320000xi32, #tpu.memory_space<hbm>> -> memref<80xi32, #tpu.memory_space<hbm>>
      %dma_start3A_164 = arith.constant 0 : i32
      %dma_start3A_165 = tpu.memref_slice %arg7[%dma_start3A_159, %dma_start3A_164] : memref<4x80xi32, #tpu.memory_space<vmem>> -> memref<1x80xi32, #tpu.memory_space<vmem>>
      %dma_start3A_166 = tpu.memref_squeeze %dma_start3A_165 : memref<1x80xi32, #tpu.memory_space<vmem>> -> memref<80xi32, #tpu.memory_space<vmem>>
      %dma_start3A_167 = tpu.memref_slice %arg2[%add3A_158] : memref<320000xi32, #tpu.memory_space<hbm>> -> memref<80xi32, #tpu.memory_space<hbm>>
      tpu.enqueue_dma source(%dma_start3A_167 : memref<80xi32, #tpu.memory_space<hbm>>) target(%dma_start3A_166 : memref<80xi32, #tpu.memory_space<vmem>>) target_semaphore(%arg14 : memref<!tpu.dma_semaphore, #tpu.memory_space<semaphore_mem>>)
      %add3A_168 = arith.constant 240 : i32
      %add3A_169 = arith.addi %add3A_74, %add3A_168 : i32
      %dma_start3A_170 = arith.constant 3 : i32
      %dma_start3A_171 = arith.constant 0 : i32
      %dma_start3A_172 = tpu.memref_slice %arg8[%dma_start3A_170, %dma_start3A_171] : memref<4x80xi32, #tpu.memory_space<vmem>> -> memref<1x80xi32, #tpu.memory_space<vmem>>
      %dma_start3A_173 = tpu.memref_squeeze %dma_start3A_172 : memref<1x80xi32, #tpu.memory_space<vmem>> -> memref<80xi32, #tpu.memory_space<vmem>>
      %dma_start3A_174 = tpu.memref_slice %arg3[%add3A_169] : memref<320000xi32, #tpu.memory_space<hbm>> -> memref<80xi32, #tpu.memory_space<hbm>>
      %dma_start3A_175 = arith.constant 0 : i32
      %dma_start3A_176 = tpu.memref_slice %arg8[%dma_start3A_170, %dma_start3A_175] : memref<4x80xi32, #tpu.memory_space<vmem>> -> memref<1x80xi32, #tpu.memory_space<vmem>>
      %dma_start3A_177 = tpu.memref_squeeze %dma_start3A_176 : memref<1x80xi32, #tpu.memory_space<vmem>> -> memref<80xi32, #tpu.memory_space<vmem>>
      %dma_start3A_178 = tpu.memref_slice %arg3[%add3A_169] : memref<320000xi32, #tpu.memory_space<hbm>> -> memref<80xi32, #tpu.memory_space<hbm>>
      tpu.enqueue_dma source(%dma_start3A_178 : memref<80xi32, #tpu.memory_space<hbm>>) target(%dma_start3A_177 : memref<80xi32, #tpu.memory_space<vmem>>) target_semaphore(%arg18 : memref<!tpu.dma_semaphore, #tpu.memory_space<semaphore_mem>>)
      %dma_wait3A_179 = arith.constant 0 : i32
      %dma_wait3A_180 = arith.constant 0 : i32
      %dma_wait3A_181 = tpu.memref_slice %arg7[%dma_wait3A_179, %dma_wait3A_180] : memref<4x80xi32, #tpu.memory_space<vmem>> -> memref<1x80xi32, #tpu.memory_space<vmem>>
      %dma_wait3A_182 = tpu.memref_squeeze %dma_wait3A_181 : memref<1x80xi32, #tpu.memory_space<vmem>> -> memref<80xi32, #tpu.memory_space<vmem>>
      %dma_wait3A_183 = tpu.memref_slice %arg2[%add3A_78] : memref<320000xi32, #tpu.memory_space<hbm>> -> memref<80xi32, #tpu.memory_space<hbm>>
      %dma_wait3A_184 = arith.constant 0 : i32
      %dma_wait3A_185 = tpu.memref_slice %arg7[%dma_wait3A_179, %dma_wait3A_184] : memref<4x80xi32, #tpu.memory_space<vmem>> -> memref<1x80xi32, #tpu.memory_space<vmem>>
      %dma_wait3A_186 = tpu.memref_squeeze %dma_wait3A_185 : memref<1x80xi32, #tpu.memory_space<vmem>> -> memref<80xi32, #tpu.memory_space<vmem>>
      %dma_wait3A_187 = tpu.memref_slice %arg2[%add3A_78] : memref<320000xi32, #tpu.memory_space<hbm>> -> memref<80xi32, #tpu.memory_space<hbm>>
      tpu.wait_dma2 semaphore(%arg11 : memref<!tpu.dma_semaphore, #tpu.memory_space<semaphore_mem>>) src(%dma_wait3A_187 : memref<80xi32, #tpu.memory_space<hbm>>) dst(%dma_wait3A_186 : memref<80xi32, #tpu.memory_space<vmem>>)
      %dma_start3A_188 = arith.constant 0 : i32
      %dma_start3A_189 = arith.constant 0 : i32
      %dma_start3A_190 = arith.constant 0 : i32
      %dma_start3A_191 = arith.constant 0 : i32
      %dma_start3A_192 = tpu.memref_slice %arg9[%dma_start3A_189, %dma_start3A_190, %dma_start3A_191] : memref<4x80x128xf32, #tpu.memory_space<vmem>> -> memref<1x80x128xf32, #tpu.memory_space<vmem>>
      %dma_start3A_193 = tpu.memref_squeeze %dma_start3A_192 : memref<1x80x128xf32, #tpu.memory_space<vmem>> -> memref<80x128xf32, #tpu.memory_space<vmem>>
      %dma_start3A_194 = arith.constant 0 : i32
      %dma_start3A_195 = tpu.memref_slice %arg7[%dma_start3A_188, %dma_start3A_194] : memref<4x80xi32, #tpu.memory_space<vmem>> -> memref<1x80xi32, #tpu.memory_space<vmem>>
      %dma_start3A_196 = tpu.memref_squeeze %dma_start3A_195 : memref<1x80xi32, #tpu.memory_space<vmem>> -> memref<80xi32, #tpu.memory_space<vmem>>
      %dma_start3A_197 = arith.constant 0 : i32
      %dma_start3A_198 = arith.constant 0 : i32
      %dma_start3A_199 = tpu.memref_slice %arg4[%dma_start3A_197, %dma_start3A_198] : memref<10000x128xf32, #tpu.memory_space<hbm>> -> memref<10000x128xf32, #tpu.memory_space<hbm>>
      tpu.enqueue_indirect_dma source(%dma_start3A_199 : memref<10000x128xf32, #tpu.memory_space<hbm>>) target(%dma_start3A_193 : memref<80x128xf32, #tpu.memory_space<vmem>>) offsets(%dma_start3A_196 : memref<80xi32, #tpu.memory_space<vmem>>) semaphore(%arg19 : memref<!tpu.dma_semaphore, #tpu.memory_space<semaphore_mem>>)
      %dma_wait3A_200 = arith.constant 1 : i32
      %dma_wait3A_201 = arith.constant 0 : i32
      %dma_wait3A_202 = tpu.memref_slice %arg7[%dma_wait3A_200, %dma_wait3A_201] : memref<4x80xi32, #tpu.memory_space<vmem>> -> memref<1x80xi32, #tpu.memory_space<vmem>>
      %dma_wait3A_203 = tpu.memref_squeeze %dma_wait3A_202 : memref<1x80xi32, #tpu.memory_space<vmem>> -> memref<80xi32, #tpu.memory_space<vmem>>
      %dma_wait3A_204 = tpu.memref_slice %arg2[%add3A_104] : memref<320000xi32, #tpu.memory_space<hbm>> -> memref<80xi32, #tpu.memory_space<hbm>>
      %dma_wait3A_205 = arith.constant 0 : i32
      %dma_wait3A_206 = tpu.memref_slice %arg7[%dma_wait3A_200, %dma_wait3A_205] : memref<4x80xi32, #tpu.memory_space<vmem>> -> memref<1x80xi32, #tpu.memory_space<vmem>>
      %dma_wait3A_207 = tpu.memref_squeeze %dma_wait3A_206 : memref<1x80xi32, #tpu.memory_space<vmem>> -> memref<80xi32, #tpu.memory_space<vmem>>
      %dma_wait3A_208 = tpu.memref_slice %arg2[%add3A_104] : memref<320000xi32, #tpu.memory_space<hbm>> -> memref<80xi32, #tpu.memory_space<hbm>>
      tpu.wait_dma2 semaphore(%arg12 : memref<!tpu.dma_semaphore, #tpu.memory_space<semaphore_mem>>) src(%dma_wait3A_208 : memref<80xi32, #tpu.memory_space<hbm>>) dst(%dma_wait3A_207 : memref<80xi32, #tpu.memory_space<vmem>>)
      %dma_start3A_209 = arith.constant 1 : i32
      %dma_start3A_210 = arith.constant 1 : i32
      %dma_start3A_211 = arith.constant 0 : i32
      %dma_start3A_212 = arith.constant 0 : i32
      %dma_start3A_213 = tpu.memref_slice %arg9[%dma_start3A_210, %dma_start3A_211, %dma_start3A_212] : memref<4x80x128xf32, #tpu.memory_space<vmem>> -> memref<1x80x128xf32, #tpu.memory_space<vmem>>
      %dma_start3A_214 = tpu.memref_squeeze %dma_start3A_213 : memref<1x80x128xf32, #tpu.memory_space<vmem>> -> memref<80x128xf32, #tpu.memory_space<vmem>>
      %dma_start3A_215 = arith.constant 0 : i32
      %dma_start3A_216 = tpu.memref_slice %arg7[%dma_start3A_209, %dma_start3A_215] : memref<4x80xi32, #tpu.memory_space<vmem>> -> memref<1x80xi32, #tpu.memory_space<vmem>>
      %dma_start3A_217 = tpu.memref_squeeze %dma_start3A_216 : memref<1x80xi32, #tpu.memory_space<vmem>> -> memref<80xi32, #tpu.memory_space<vmem>>
      %dma_start3A_218 = arith.constant 0 : i32
      %dma_start3A_219 = arith.constant 0 : i32
      %dma_start3A_220 = tpu.memref_slice %arg4[%dma_start3A_218, %dma_start3A_219] : memref<10000x128xf32, #tpu.memory_space<hbm>> -> memref<10000x128xf32, #tpu.memory_space<hbm>>
      tpu.enqueue_indirect_dma source(%dma_start3A_220 : memref<10000x128xf32, #tpu.memory_space<hbm>>) target(%dma_start3A_214 : memref<80x128xf32, #tpu.memory_space<vmem>>) offsets(%dma_start3A_217 : memref<80xi32, #tpu.memory_space<vmem>>) semaphore(%arg20 : memref<!tpu.dma_semaphore, #tpu.memory_space<semaphore_mem>>)
      %dma_wait3A_221 = arith.constant 2 : i32
      %dma_wait3A_222 = arith.constant 0 : i32
      %dma_wait3A_223 = tpu.memref_slice %arg7[%dma_wait3A_221, %dma_wait3A_222] : memref<4x80xi32, #tpu.memory_space<vmem>> -> memref<1x80xi32, #tpu.memory_space<vmem>>
      %dma_wait3A_224 = tpu.memref_squeeze %dma_wait3A_223 : memref<1x80xi32, #tpu.memory_space<vmem>> -> memref<80xi32, #tpu.memory_space<vmem>>
      %dma_wait3A_225 = tpu.memref_slice %arg2[%add3A_131] : memref<320000xi32, #tpu.memory_space<hbm>> -> memref<80xi32, #tpu.memory_space<hbm>>
      %dma_wait3A_226 = arith.constant 0 : i32
      %dma_wait3A_227 = tpu.memref_slice %arg7[%dma_wait3A_221, %dma_wait3A_226] : memref<4x80xi32, #tpu.memory_space<vmem>> -> memref<1x80xi32, #tpu.memory_space<vmem>>
      %dma_wait3A_228 = tpu.memref_squeeze %dma_wait3A_227 : memref<1x80xi32, #tpu.memory_space<vmem>> -> memref<80xi32, #tpu.memory_space<vmem>>
      %dma_wait3A_229 = tpu.memref_slice %arg2[%add3A_131] : memref<320000xi32, #tpu.memory_space<hbm>> -> memref<80xi32, #tpu.memory_space<hbm>>
      tpu.wait_dma2 semaphore(%arg13 : memref<!tpu.dma_semaphore, #tpu.memory_space<semaphore_mem>>) src(%dma_wait3A_229 : memref<80xi32, #tpu.memory_space<hbm>>) dst(%dma_wait3A_228 : memref<80xi32, #tpu.memory_space<vmem>>)
      %dma_start3A_230 = arith.constant 2 : i32
      %dma_start3A_231 = arith.constant 2 : i32
      %dma_start3A_232 = arith.constant 0 : i32
      %dma_start3A_233 = arith.constant 0 : i32
      %dma_start3A_234 = tpu.memref_slice %arg9[%dma_start3A_231, %dma_start3A_232, %dma_start3A_233] : memref<4x80x128xf32, #tpu.memory_space<vmem>> -> memref<1x80x128xf32, #tpu.memory_space<vmem>>
      %dma_start3A_235 = tpu.memref_squeeze %dma_start3A_234 : memref<1x80x128xf32, #tpu.memory_space<vmem>> -> memref<80x128xf32, #tpu.memory_space<vmem>>
      %dma_start3A_236 = arith.constant 0 : i32
      %dma_start3A_237 = tpu.memref_slice %arg7[%dma_start3A_230, %dma_start3A_236] : memref<4x80xi32, #tpu.memory_space<vmem>> -> memref<1x80xi32, #tpu.memory_space<vmem>>
      %dma_start3A_238 = tpu.memref_squeeze %dma_start3A_237 : memref<1x80xi32, #tpu.memory_space<vmem>> -> memref<80xi32, #tpu.memory_space<vmem>>
      %dma_start3A_239 = arith.constant 0 : i32
      %dma_start3A_240 = arith.constant 0 : i32
      %dma_start3A_241 = tpu.memref_slice %arg4[%dma_start3A_239, %dma_start3A_240] : memref<10000x128xf32, #tpu.memory_space<hbm>> -> memref<10000x128xf32, #tpu.memory_space<hbm>>
      tpu.enqueue_indirect_dma source(%dma_start3A_241 : memref<10000x128xf32, #tpu.memory_space<hbm>>) target(%dma_start3A_235 : memref<80x128xf32, #tpu.memory_space<vmem>>) offsets(%dma_start3A_238 : memref<80xi32, #tpu.memory_space<vmem>>) semaphore(%arg21 : memref<!tpu.dma_semaphore, #tpu.memory_space<semaphore_mem>>)
      %dma_wait3A_242 = arith.constant 3 : i32
      %dma_wait3A_243 = arith.constant 0 : i32
      %dma_wait3A_244 = tpu.memref_slice %arg7[%dma_wait3A_242, %dma_wait3A_243] : memref<4x80xi32, #tpu.memory_space<vmem>> -> memref<1x80xi32, #tpu.memory_space<vmem>>
      %dma_wait3A_245 = tpu.memref_squeeze %dma_wait3A_244 : memref<1x80xi32, #tpu.memory_space<vmem>> -> memref<80xi32, #tpu.memory_space<vmem>>
      %dma_wait3A_246 = tpu.memref_slice %arg2[%add3A_158] : memref<320000xi32, #tpu.memory_space<hbm>> -> memref<80xi32, #tpu.memory_space<hbm>>
      %dma_wait3A_247 = arith.constant 0 : i32
      %dma_wait3A_248 = tpu.memref_slice %arg7[%dma_wait3A_242, %dma_wait3A_247] : memref<4x80xi32, #tpu.memory_space<vmem>> -> memref<1x80xi32, #tpu.memory_space<vmem>>
      %dma_wait3A_249 = tpu.memref_squeeze %dma_wait3A_248 : memref<1x80xi32, #tpu.memory_space<vmem>> -> memref<80xi32, #tpu.memory_space<vmem>>
      %dma_wait3A_250 = tpu.memref_slice %arg2[%add3A_158] : memref<320000xi32, #tpu.memory_space<hbm>> -> memref<80xi32, #tpu.memory_space<hbm>>
      tpu.wait_dma2 semaphore(%arg14 : memref<!tpu.dma_semaphore, #tpu.memory_space<semaphore_mem>>) src(%dma_wait3A_250 : memref<80xi32, #tpu.memory_space<hbm>>) dst(%dma_wait3A_249 : memref<80xi32, #tpu.memory_space<vmem>>)
      %dma_start3A_251 = arith.constant 3 : i32
      %dma_start3A_252 = arith.constant 3 : i32
      %dma_start3A_253 = arith.constant 0 : i32
      %dma_start3A_254 = arith.constant 0 : i32
      %dma_start3A_255 = tpu.memref_slice %arg9[%dma_start3A_252, %dma_start3A_253, %dma_start3A_254] : memref<4x80x128xf32, #tpu.memory_space<vmem>> -> memref<1x80x128xf32, #tpu.memory_space<vmem>>
      %dma_start3A_256 = tpu.memref_squeeze %dma_start3A_255 : memref<1x80x128xf32, #tpu.memory_space<vmem>> -> memref<80x128xf32, #tpu.memory_space<vmem>>
      %dma_start3A_257 = arith.constant 0 : i32
      %dma_start3A_258 = tpu.memref_slice %arg7[%dma_start3A_251, %dma_start3A_257] : memref<4x80xi32, #tpu.memory_space<vmem>> -> memref<1x80xi32, #tpu.memory_space<vmem>>
      %dma_start3A_259 = tpu.memref_squeeze %dma_start3A_258 : memref<1x80xi32, #tpu.memory_space<vmem>> -> memref<80xi32, #tpu.memory_space<vmem>>
      %dma_start3A_260 = arith.constant 0 : i32
      %dma_start3A_261 = arith.constant 0 : i32
      %dma_start3A_262 = tpu.memref_slice %arg4[%dma_start3A_260, %dma_start3A_261] : memref<10000x128xf32, #tpu.memory_space<hbm>> -> memref<10000x128xf32, #tpu.memory_space<hbm>>
      tpu.enqueue_indirect_dma source(%dma_start3A_262 : memref<10000x128xf32, #tpu.memory_space<hbm>>) target(%dma_start3A_256 : memref<80x128xf32, #tpu.memory_space<vmem>>) offsets(%dma_start3A_259 : memref<80xi32, #tpu.memory_space<vmem>>) semaphore(%arg22 : memref<!tpu.dma_semaphore, #tpu.memory_space<semaphore_mem>>)
      %dma_wait3A_263 = arith.constant 0 : i32
      %dma_wait3A_264 = arith.constant 0 : i32
      %dma_wait3A_265 = arith.constant 0 : i32
      %dma_wait3A_266 = arith.constant 0 : i32
      %dma_wait3A_267 = tpu.memref_slice %arg9[%dma_wait3A_264, %dma_wait3A_265, %dma_wait3A_266] : memref<4x80x128xf32, #tpu.memory_space<vmem>> -> memref<1x80x128xf32, #tpu.memory_space<vmem>>
      %dma_wait3A_268 = tpu.memref_squeeze %dma_wait3A_267 : memref<1x80x128xf32, #tpu.memory_space<vmem>> -> memref<80x128xf32, #tpu.memory_space<vmem>>
      %dma_wait3A_269 = arith.constant 0 : i32
      %dma_wait3A_270 = tpu.memref_slice %arg7[%dma_wait3A_263, %dma_wait3A_269] : memref<4x80xi32, #tpu.memory_space<vmem>> -> memref<1x80xi32, #tpu.memory_space<vmem>>
      %dma_wait3A_271 = tpu.memref_squeeze %dma_wait3A_270 : memref<1x80xi32, #tpu.memory_space<vmem>> -> memref<80xi32, #tpu.memory_space<vmem>>
      %dma_wait3A_272 = arith.constant 0 : i32
      %dma_wait3A_273 = arith.constant 0 : i32
      %dma_wait3A_274 = tpu.memref_slice %arg4[%dma_wait3A_272, %dma_wait3A_273] : memref<10000x128xf32, #tpu.memory_space<hbm>> -> memref<10000x128xf32, #tpu.memory_space<hbm>>
      tpu.wait_indirect_dma semaphore(%arg19 : memref<!tpu.dma_semaphore, #tpu.memory_space<semaphore_mem>>) src(%dma_wait3A_274 : memref<10000x128xf32, #tpu.memory_space<hbm>>) dst(%dma_wait3A_268 : memref<80x128xf32, #tpu.memory_space<vmem>>)
      %dma_wait3A_275 = arith.constant 0 : i32
      %dma_wait3A_276 = arith.constant 0 : i32
      %dma_wait3A_277 = tpu.memref_slice %arg8[%dma_wait3A_275, %dma_wait3A_276] : memref<4x80xi32, #tpu.memory_space<vmem>> -> memref<1x80xi32, #tpu.memory_space<vmem>>
      %dma_wait3A_278 = tpu.memref_squeeze %dma_wait3A_277 : memref<1x80xi32, #tpu.memory_space<vmem>> -> memref<80xi32, #tpu.memory_space<vmem>>
      %dma_wait3A_279 = tpu.memref_slice %arg3[%add3A_88] : memref<320000xi32, #tpu.memory_space<hbm>> -> memref<80xi32, #tpu.memory_space<hbm>>
      %dma_wait3A_280 = arith.constant 0 : i32
      %dma_wait3A_281 = tpu.memref_slice %arg8[%dma_wait3A_275, %dma_wait3A_280] : memref<4x80xi32, #tpu.memory_space<vmem>> -> memref<1x80xi32, #tpu.memory_space<vmem>>
      %dma_wait3A_282 = tpu.memref_squeeze %dma_wait3A_281 : memref<1x80xi32, #tpu.memory_space<vmem>> -> memref<80xi32, #tpu.memory_space<vmem>>
      %dma_wait3A_283 = tpu.memref_slice %arg3[%add3A_88] : memref<320000xi32, #tpu.memory_space<hbm>> -> memref<80xi32, #tpu.memory_space<hbm>>
      tpu.wait_dma2 semaphore(%arg15 : memref<!tpu.dma_semaphore, #tpu.memory_space<semaphore_mem>>) src(%dma_wait3A_283 : memref<80xi32, #tpu.memory_space<hbm>>) dst(%dma_wait3A_282 : memref<80xi32, #tpu.memory_space<vmem>>)
      %dma_start3A_284 = arith.constant 0 : i32
      %dma_start3A_285 = arith.constant 0 : i32
      %dma_start3A_286 = arith.constant 0 : i32
      %dma_start3A_287 = arith.constant 0 : i32
      %dma_start3A_288 = tpu.memref_slice %arg9[%dma_start3A_284, %dma_start3A_286, %dma_start3A_287] : memref<4x80x128xf32, #tpu.memory_space<vmem>> -> memref<1x80x128xf32, #tpu.memory_space<vmem>>
      %dma_start3A_289 = tpu.memref_squeeze %dma_start3A_288 : memref<1x80x128xf32, #tpu.memory_space<vmem>> -> memref<80x128xf32, #tpu.memory_space<vmem>>
      %dma_start3A_290 = arith.constant 0 : i32
      %dma_start3A_291 = tpu.memref_slice %arg8[%dma_start3A_285, %dma_start3A_290] : memref<4x80xi32, #tpu.memory_space<vmem>> -> memref<1x80xi32, #tpu.memory_space<vmem>>
      %dma_start3A_292 = tpu.memref_squeeze %dma_start3A_291 : memref<1x80xi32, #tpu.memory_space<vmem>> -> memref<80xi32, #tpu.memory_space<vmem>>
      %dma_start3A_293 = arith.constant 0 : i32
      %dma_start3A_294 = arith.constant 0 : i32
      %dma_start3A_295 = tpu.memref_slice %arg10[%dma_start3A_293, %dma_start3A_294] : memref<10240x128xf32, #tpu.memory_space<vmem_shared>> -> memref<10240x128xf32, #tpu.memory_space<vmem_shared>>
      tpu.enqueue_indirect_dma source(%dma_start3A_289 : memref<80x128xf32, #tpu.memory_space<vmem>>) target(%dma_start3A_295 : memref<10240x128xf32, #tpu.memory_space<vmem_shared>>) offsets(%dma_start3A_292 : memref<80xi32, #tpu.memory_space<vmem>>) semaphore(%arg23 : memref<!tpu.dma_semaphore, #tpu.memory_space<semaphore_mem>>) {add = true}
      %dma_wait3A_296 = arith.constant 1 : i32
      %dma_wait3A_297 = arith.constant 1 : i32
      %dma_wait3A_298 = arith.constant 0 : i32
      %dma_wait3A_299 = arith.constant 0 : i32
      %dma_wait3A_300 = tpu.memref_slice %arg9[%dma_wait3A_297, %dma_wait3A_298, %dma_wait3A_299] : memref<4x80x128xf32, #tpu.memory_space<vmem>> -> memref<1x80x128xf32, #tpu.memory_space<vmem>>
      %dma_wait3A_301 = tpu.memref_squeeze %dma_wait3A_300 : memref<1x80x128xf32, #tpu.memory_space<vmem>> -> memref<80x128xf32, #tpu.memory_space<vmem>>
      %dma_wait3A_302 = arith.constant 0 : i32
      %dma_wait3A_303 = tpu.memref_slice %arg7[%dma_wait3A_296, %dma_wait3A_302] : memref<4x80xi32, #tpu.memory_space<vmem>> -> memref<1x80xi32, #tpu.memory_space<vmem>>
      %dma_wait3A_304 = tpu.memref_squeeze %dma_wait3A_303 : memref<1x80xi32, #tpu.memory_space<vmem>> -> memref<80xi32, #tpu.memory_space<vmem>>
      %dma_wait3A_305 = arith.constant 0 : i32
      %dma_wait3A_306 = arith.constant 0 : i32
      %dma_wait3A_307 = tpu.memref_slice %arg4[%dma_wait3A_305, %dma_wait3A_306] : memref<10000x128xf32, #tpu.memory_space<hbm>> -> memref<10000x128xf32, #tpu.memory_space<hbm>>
      tpu.wait_indirect_dma semaphore(%arg20 : memref<!tpu.dma_semaphore, #tpu.memory_space<semaphore_mem>>) src(%dma_wait3A_307 : memref<10000x128xf32, #tpu.memory_space<hbm>>) dst(%dma_wait3A_301 : memref<80x128xf32, #tpu.memory_space<vmem>>)
      %dma_wait3A_308 = arith.constant 1 : i32
      %dma_wait3A_309 = arith.constant 0 : i32
      %dma_wait3A_310 = tpu.memref_slice %arg8[%dma_wait3A_308, %dma_wait3A_309] : memref<4x80xi32, #tpu.memory_space<vmem>> -> memref<1x80xi32, #tpu.memory_space<vmem>>
      %dma_wait3A_311 = tpu.memref_squeeze %dma_wait3A_310 : memref<1x80xi32, #tpu.memory_space<vmem>> -> memref<80xi32, #tpu.memory_space<vmem>>
      %dma_wait3A_312 = tpu.memref_slice %arg3[%add3A_115] : memref<320000xi32, #tpu.memory_space<hbm>> -> memref<80xi32, #tpu.memory_space<hbm>>
      %dma_wait3A_313 = arith.constant 0 : i32
      %dma_wait3A_314 = tpu.memref_slice %arg8[%dma_wait3A_308, %dma_wait3A_313] : memref<4x80xi32, #tpu.memory_space<vmem>> -> memref<1x80xi32, #tpu.memory_space<vmem>>
      %dma_wait3A_315 = tpu.memref_squeeze %dma_wait3A_314 : memref<1x80xi32, #tpu.memory_space<vmem>> -> memref<80xi32, #tpu.memory_space<vmem>>
      %dma_wait3A_316 = tpu.memref_slice %arg3[%add3A_115] : memref<320000xi32, #tpu.memory_space<hbm>> -> memref<80xi32, #tpu.memory_space<hbm>>
      tpu.wait_dma2 semaphore(%arg16 : memref<!tpu.dma_semaphore, #tpu.memory_space<semaphore_mem>>) src(%dma_wait3A_316 : memref<80xi32, #tpu.memory_space<hbm>>) dst(%dma_wait3A_315 : memref<80xi32, #tpu.memory_space<vmem>>)
      %dma_start3A_317 = arith.constant 1 : i32
      %dma_start3A_318 = arith.constant 1 : i32
      %dma_start3A_319 = arith.constant 0 : i32
      %dma_start3A_320 = arith.constant 0 : i32
      %dma_start3A_321 = tpu.memref_slice %arg9[%dma_start3A_317, %dma_start3A_319, %dma_start3A_320] : memref<4x80x128xf32, #tpu.memory_space<vmem>> -> memref<1x80x128xf32, #tpu.memory_space<vmem>>
      %dma_start3A_322 = tpu.memref_squeeze %dma_start3A_321 : memref<1x80x128xf32, #tpu.memory_space<vmem>> -> memref<80x128xf32, #tpu.memory_space<vmem>>
      %dma_start3A_323 = arith.constant 0 : i32
      %dma_start3A_324 = tpu.memref_slice %arg8[%dma_start3A_318, %dma_start3A_323] : memref<4x80xi32, #tpu.memory_space<vmem>> -> memref<1x80xi32, #tpu.memory_space<vmem>>
      %dma_start3A_325 = tpu.memref_squeeze %dma_start3A_324 : memref<1x80xi32, #tpu.memory_space<vmem>> -> memref<80xi32, #tpu.memory_space<vmem>>
      %dma_start3A_326 = arith.constant 0 : i32
      %dma_start3A_327 = arith.constant 0 : i32
      %dma_start3A_328 = tpu.memref_slice %arg10[%dma_start3A_326, %dma_start3A_327] : memref<10240x128xf32, #tpu.memory_space<vmem_shared>> -> memref<10240x128xf32, #tpu.memory_space<vmem_shared>>
      tpu.enqueue_indirect_dma source(%dma_start3A_322 : memref<80x128xf32, #tpu.memory_space<vmem>>) target(%dma_start3A_328 : memref<10240x128xf32, #tpu.memory_space<vmem_shared>>) offsets(%dma_start3A_325 : memref<80xi32, #tpu.memory_space<vmem>>) semaphore(%arg24 : memref<!tpu.dma_semaphore, #tpu.memory_space<semaphore_mem>>) {add = true}
      %dma_wait3A_329 = arith.constant 2 : i32
      %dma_wait3A_330 = arith.constant 2 : i32
      %dma_wait3A_331 = arith.constant 0 : i32
      %dma_wait3A_332 = arith.constant 0 : i32
      %dma_wait3A_333 = tpu.memref_slice %arg9[%dma_wait3A_330, %dma_wait3A_331, %dma_wait3A_332] : memref<4x80x128xf32, #tpu.memory_space<vmem>> -> memref<1x80x128xf32, #tpu.memory_space<vmem>>
      %dma_wait3A_334 = tpu.memref_squeeze %dma_wait3A_333 : memref<1x80x128xf32, #tpu.memory_space<vmem>> -> memref<80x128xf32, #tpu.memory_space<vmem>>
      %dma_wait3A_335 = arith.constant 0 : i32
      %dma_wait3A_336 = tpu.memref_slice %arg7[%dma_wait3A_329, %dma_wait3A_335] : memref<4x80xi32, #tpu.memory_space<vmem>> -> memref<1x80xi32, #tpu.memory_space<vmem>>
      %dma_wait3A_337 = tpu.memref_squeeze %dma_wait3A_336 : memref<1x80xi32, #tpu.memory_space<vmem>> -> memref<80xi32, #tpu.memory_space<vmem>>
      %dma_wait3A_338 = arith.constant 0 : i32
      %dma_wait3A_339 = arith.constant 0 : i32
      %dma_wait3A_340 = tpu.memref_slice %arg4[%dma_wait3A_338, %dma_wait3A_339] : memref<10000x128xf32, #tpu.memory_space<hbm>> -> memref<10000x128xf32, #tpu.memory_space<hbm>>
      tpu.wait_indirect_dma semaphore(%arg21 : memref<!tpu.dma_semaphore, #tpu.memory_space<semaphore_mem>>) src(%dma_wait3A_340 : memref<10000x128xf32, #tpu.memory_space<hbm>>) dst(%dma_wait3A_334 : memref<80x128xf32, #tpu.memory_space<vmem>>)
      %dma_wait3A_341 = arith.constant 2 : i32
      %dma_wait3A_342 = arith.constant 0 : i32
      %dma_wait3A_343 = tpu.memref_slice %arg8[%dma_wait3A_341, %dma_wait3A_342] : memref<4x80xi32, #tpu.memory_space<vmem>> -> memref<1x80xi32, #tpu.memory_space<vmem>>
      %dma_wait3A_344 = tpu.memref_squeeze %dma_wait3A_343 : memref<1x80xi32, #tpu.memory_space<vmem>> -> memref<80xi32, #tpu.memory_space<vmem>>
      %dma_wait3A_345 = tpu.memref_slice %arg3[%add3A_142] : memref<320000xi32, #tpu.memory_space<hbm>> -> memref<80xi32, #tpu.memory_space<hbm>>
      %dma_wait3A_346 = arith.constant 0 : i32
      %dma_wait3A_347 = tpu.memref_slice %arg8[%dma_wait3A_341, %dma_wait3A_346] : memref<4x80xi32, #tpu.memory_space<vmem>> -> memref<1x80xi32, #tpu.memory_space<vmem>>
      %dma_wait3A_348 = tpu.memref_squeeze %dma_wait3A_347 : memref<1x80xi32, #tpu.memory_space<vmem>> -> memref<80xi32, #tpu.memory_space<vmem>>
      %dma_wait3A_349 = tpu.memref_slice %arg3[%add3A_142] : memref<320000xi32, #tpu.memory_space<hbm>> -> memref<80xi32, #tpu.memory_space<hbm>>
      tpu.wait_dma2 semaphore(%arg17 : memref<!tpu.dma_semaphore, #tpu.memory_space<semaphore_mem>>) src(%dma_wait3A_349 : memref<80xi32, #tpu.memory_space<hbm>>) dst(%dma_wait3A_348 : memref<80xi32, #tpu.memory_space<vmem>>)
      %dma_start3A_350 = arith.constant 2 : i32
      %dma_start3A_351 = arith.constant 2 : i32
      %dma_start3A_352 = arith.constant 0 : i32
      %dma_start3A_353 = arith.constant 0 : i32
      %dma_start3A_354 = tpu.memref_slice %arg9[%dma_start3A_350, %dma_start3A_352, %dma_start3A_353] : memref<4x80x128xf32, #tpu.memory_space<vmem>> -> memref<1x80x128xf32, #tpu.memory_space<vmem>>
      %dma_start3A_355 = tpu.memref_squeeze %dma_start3A_354 : memref<1x80x128xf32, #tpu.memory_space<vmem>> -> memref<80x128xf32, #tpu.memory_space<vmem>>
      %dma_start3A_356 = arith.constant 0 : i32
      %dma_start3A_357 = tpu.memref_slice %arg8[%dma_start3A_351, %dma_start3A_356] : memref<4x80xi32, #tpu.memory_space<vmem>> -> memref<1x80xi32, #tpu.memory_space<vmem>>
      %dma_start3A_358 = tpu.memref_squeeze %dma_start3A_357 : memref<1x80xi32, #tpu.memory_space<vmem>> -> memref<80xi32, #tpu.memory_space<vmem>>
      %dma_start3A_359 = arith.constant 0 : i32
      %dma_start3A_360 = arith.constant 0 : i32
      %dma_start3A_361 = tpu.memref_slice %arg10[%dma_start3A_359, %dma_start3A_360] : memref<10240x128xf32, #tpu.memory_space<vmem_shared>> -> memref<10240x128xf32, #tpu.memory_space<vmem_shared>>
      tpu.enqueue_indirect_dma source(%dma_start3A_355 : memref<80x128xf32, #tpu.memory_space<vmem>>) target(%dma_start3A_361 : memref<10240x128xf32, #tpu.memory_space<vmem_shared>>) offsets(%dma_start3A_358 : memref<80xi32, #tpu.memory_space<vmem>>) semaphore(%arg25 : memref<!tpu.dma_semaphore, #tpu.memory_space<semaphore_mem>>) {add = true}
      %dma_wait3A_362 = arith.constant 3 : i32
      %dma_wait3A_363 = arith.constant 3 : i32
      %dma_wait3A_364 = arith.constant 0 : i32
      %dma_wait3A_365 = arith.constant 0 : i32
      %dma_wait3A_366 = tpu.memref_slice %arg9[%dma_wait3A_363, %dma_wait3A_364, %dma_wait3A_365] : memref<4x80x128xf32, #tpu.memory_space<vmem>> -> memref<1x80x128xf32, #tpu.memory_space<vmem>>
      %dma_wait3A_367 = tpu.memref_squeeze %dma_wait3A_366 : memref<1x80x128xf32, #tpu.memory_space<vmem>> -> memref<80x128xf32, #tpu.memory_space<vmem>>
      %dma_wait3A_368 = arith.constant 0 : i32
      %dma_wait3A_369 = tpu.memref_slice %arg7[%dma_wait3A_362, %dma_wait3A_368] : memref<4x80xi32, #tpu.memory_space<vmem>> -> memref<1x80xi32, #tpu.memory_space<vmem>>
      %dma_wait3A_370 = tpu.memref_squeeze %dma_wait3A_369 : memref<1x80xi32, #tpu.memory_space<vmem>> -> memref<80xi32, #tpu.memory_space<vmem>>
      %dma_wait3A_371 = arith.constant 0 : i32
      %dma_wait3A_372 = arith.constant 0 : i32
      %dma_wait3A_373 = tpu.memref_slice %arg4[%dma_wait3A_371, %dma_wait3A_372] : memref<10000x128xf32, #tpu.memory_space<hbm>> -> memref<10000x128xf32, #tpu.memory_space<hbm>>
      tpu.wait_indirect_dma semaphore(%arg22 : memref<!tpu.dma_semaphore, #tpu.memory_space<semaphore_mem>>) src(%dma_wait3A_373 : memref<10000x128xf32, #tpu.memory_space<hbm>>) dst(%dma_wait3A_367 : memref<80x128xf32, #tpu.memory_space<vmem>>)
      %dma_wait3A_374 = arith.constant 3 : i32
      %dma_wait3A_375 = arith.constant 0 : i32
      %dma_wait3A_376 = tpu.memref_slice %arg8[%dma_wait3A_374, %dma_wait3A_375] : memref<4x80xi32, #tpu.memory_space<vmem>> -> memref<1x80xi32, #tpu.memory_space<vmem>>
      %dma_wait3A_377 = tpu.memref_squeeze %dma_wait3A_376 : memref<1x80xi32, #tpu.memory_space<vmem>> -> memref<80xi32, #tpu.memory_space<vmem>>
      %dma_wait3A_378 = tpu.memref_slice %arg3[%add3A_169] : memref<320000xi32, #tpu.memory_space<hbm>> -> memref<80xi32, #tpu.memory_space<hbm>>
      %dma_wait3A_379 = arith.constant 0 : i32
      %dma_wait3A_380 = tpu.memref_slice %arg8[%dma_wait3A_374, %dma_wait3A_379] : memref<4x80xi32, #tpu.memory_space<vmem>> -> memref<1x80xi32, #tpu.memory_space<vmem>>
      %dma_wait3A_381 = tpu.memref_squeeze %dma_wait3A_380 : memref<1x80xi32, #tpu.memory_space<vmem>> -> memref<80xi32, #tpu.memory_space<vmem>>
      %dma_wait3A_382 = tpu.memref_slice %arg3[%add3A_169] : memref<320000xi32, #tpu.memory_space<hbm>> -> memref<80xi32, #tpu.memory_space<hbm>>
      tpu.wait_dma2 semaphore(%arg18 : memref<!tpu.dma_semaphore, #tpu.memory_space<semaphore_mem>>) src(%dma_wait3A_382 : memref<80xi32, #tpu.memory_space<hbm>>) dst(%dma_wait3A_381 : memref<80xi32, #tpu.memory_space<vmem>>)
      %dma_start3A_383 = arith.constant 3 : i32
      %dma_start3A_384 = arith.constant 3 : i32
      %dma_start3A_385 = arith.constant 0 : i32
      %dma_start3A_386 = arith.constant 0 : i32
      %dma_start3A_387 = tpu.memref_slice %arg9[%dma_start3A_383, %dma_start3A_385, %dma_start3A_386] : memref<4x80x128xf32, #tpu.memory_space<vmem>> -> memref<1x80x128xf32, #tpu.memory_space<vmem>>
      %dma_start3A_388 = tpu.memref_squeeze %dma_start3A_387 : memref<1x80x128xf32, #tpu.memory_space<vmem>> -> memref<80x128xf32, #tpu.memory_space<vmem>>
      %dma_start3A_389 = arith.constant 0 : i32
      %dma_start3A_390 = tpu.memref_slice %arg8[%dma_start3A_384, %dma_start3A_389] : memref<4x80xi32, #tpu.memory_space<vmem>> -> memref<1x80xi32, #tpu.memory_space<vmem>>
      %dma_start3A_391 = tpu.memref_squeeze %dma_start3A_390 : memref<1x80xi32, #tpu.memory_space<vmem>> -> memref<80xi32, #tpu.memory_space<vmem>>
      %dma_start3A_392 = arith.constant 0 : i32
      %dma_start3A_393 = arith.constant 0 : i32
      %dma_start3A_394 = tpu.memref_slice %arg10[%dma_start3A_392, %dma_start3A_393] : memref<10240x128xf32, #tpu.memory_space<vmem_shared>> -> memref<10240x128xf32, #tpu.memory_space<vmem_shared>>
      tpu.enqueue_indirect_dma source(%dma_start3A_388 : memref<80x128xf32, #tpu.memory_space<vmem>>) target(%dma_start3A_394 : memref<10240x128xf32, #tpu.memory_space<vmem_shared>>) offsets(%dma_start3A_391 : memref<80xi32, #tpu.memory_space<vmem>>) semaphore(%arg26 : memref<!tpu.dma_semaphore, #tpu.memory_space<semaphore_mem>>) {add = true}
    }
    %scan3A_11 = arith.constant 31 : i32
    %dma_wait3A = arith.constant 0 : i32
    %dma_wait3A_12 = arith.constant 0 : i32
    %dma_wait3A_13 = arith.constant 0 : i32
    %dma_wait3A_14 = arith.constant 0 : i32
    %dma_wait3A_15 = tpu.memref_slice %arg9[%dma_wait3A, %dma_wait3A_13, %dma_wait3A_14] : memref<4x80x128xf32, #tpu.memory_space<vmem>> -> memref<1x80x128xf32, #tpu.memory_space<vmem>>
    %dma_wait3A_16 = tpu.memref_squeeze %dma_wait3A_15 : memref<1x80x128xf32, #tpu.memory_space<vmem>> -> memref<80x128xf32, #tpu.memory_space<vmem>>
    %dma_wait3A_17 = arith.constant 0 : i32
    %dma_wait3A_18 = tpu.memref_slice %arg8[%dma_wait3A_12, %dma_wait3A_17] : memref<4x80xi32, #tpu.memory_space<vmem>> -> memref<1x80xi32, #tpu.memory_space<vmem>>
    %dma_wait3A_19 = tpu.memref_squeeze %dma_wait3A_18 : memref<1x80xi32, #tpu.memory_space<vmem>> -> memref<80xi32, #tpu.memory_space<vmem>>
    %dma_wait3A_20 = arith.constant 0 : i32
    %dma_wait3A_21 = arith.constant 0 : i32
    %dma_wait3A_22 = tpu.memref_slice %arg10[%dma_wait3A_20, %dma_wait3A_21] : memref<10240x128xf32, #tpu.memory_space<vmem_shared>> -> memref<10240x128xf32, #tpu.memory_space<vmem_shared>>
    tpu.wait_indirect_dma semaphore(%arg23 : memref<!tpu.dma_semaphore, #tpu.memory_space<semaphore_mem>>) src(%dma_wait3A_16 : memref<80x128xf32, #tpu.memory_space<vmem>>) dst(%dma_wait3A_22 : memref<10240x128xf32, #tpu.memory_space<vmem_shared>>)
    %dma_wait3A_23 = arith.constant 1 : i32
    %dma_wait3A_24 = arith.constant 1 : i32
    %dma_wait3A_25 = arith.constant 0 : i32
    %dma_wait3A_26 = arith.constant 0 : i32
    %dma_wait3A_27 = tpu.memref_slice %arg9[%dma_wait3A_23, %dma_wait3A_25, %dma_wait3A_26] : memref<4x80x128xf32, #tpu.memory_space<vmem>> -> memref<1x80x128xf32, #tpu.memory_space<vmem>>
    %dma_wait3A_28 = tpu.memref_squeeze %dma_wait3A_27 : memref<1x80x128xf32, #tpu.memory_space<vmem>> -> memref<80x128xf32, #tpu.memory_space<vmem>>
    %dma_wait3A_29 = arith.constant 0 : i32
    %dma_wait3A_30 = tpu.memref_slice %arg8[%dma_wait3A_24, %dma_wait3A_29] : memref<4x80xi32, #tpu.memory_space<vmem>> -> memref<1x80xi32, #tpu.memory_space<vmem>>
    %dma_wait3A_31 = tpu.memref_squeeze %dma_wait3A_30 : memref<1x80xi32, #tpu.memory_space<vmem>> -> memref<80xi32, #tpu.memory_space<vmem>>
    %dma_wait3A_32 = arith.constant 0 : i32
    %dma_wait3A_33 = arith.constant 0 : i32
    %dma_wait3A_34 = tpu.memref_slice %arg10[%dma_wait3A_32, %dma_wait3A_33] : memref<10240x128xf32, #tpu.memory_space<vmem_shared>> -> memref<10240x128xf32, #tpu.memory_space<vmem_shared>>
    tpu.wait_indirect_dma semaphore(%arg24 : memref<!tpu.dma_semaphore, #tpu.memory_space<semaphore_mem>>) src(%dma_wait3A_28 : memref<80x128xf32, #tpu.memory_space<vmem>>) dst(%dma_wait3A_34 : memref<10240x128xf32, #tpu.memory_space<vmem_shared>>)
    %dma_wait3A_35 = arith.constant 2 : i32
    %dma_wait3A_36 = arith.constant 2 : i32
    %dma_wait3A_37 = arith.constant 0 : i32
    %dma_wait3A_38 = arith.constant 0 : i32
    %dma_wait3A_39 = tpu.memref_slice %arg9[%dma_wait3A_35, %dma_wait3A_37, %dma_wait3A_38] : memref<4x80x128xf32, #tpu.memory_space<vmem>> -> memref<1x80x128xf32, #tpu.memory_space<vmem>>
    %dma_wait3A_40 = tpu.memref_squeeze %dma_wait3A_39 : memref<1x80x128xf32, #tpu.memory_space<vmem>> -> memref<80x128xf32, #tpu.memory_space<vmem>>
    %dma_wait3A_41 = arith.constant 0 : i32
    %dma_wait3A_42 = tpu.memref_slice %arg8[%dma_wait3A_36, %dma_wait3A_41] : memref<4x80xi32, #tpu.memory_space<vmem>> -> memref<1x80xi32, #tpu.memory_space<vmem>>
    %dma_wait3A_43 = tpu.memref_squeeze %dma_wait3A_42 : memref<1x80xi32, #tpu.memory_space<vmem>> -> memref<80xi32, #tpu.memory_space<vmem>>
    %dma_wait3A_44 = arith.constant 0 : i32
    %dma_wait3A_45 = arith.constant 0 : i32
    %dma_wait3A_46 = tpu.memref_slice %arg10[%dma_wait3A_44, %dma_wait3A_45] : memref<10240x128xf32, #tpu.memory_space<vmem_shared>> -> memref<10240x128xf32, #tpu.memory_space<vmem_shared>>
    tpu.wait_indirect_dma semaphore(%arg25 : memref<!tpu.dma_semaphore, #tpu.memory_space<semaphore_mem>>) src(%dma_wait3A_40 : memref<80x128xf32, #tpu.memory_space<vmem>>) dst(%dma_wait3A_46 : memref<10240x128xf32, #tpu.memory_space<vmem_shared>>)
    %dma_wait3A_47 = arith.constant 3 : i32
    %dma_wait3A_48 = arith.constant 3 : i32
    %dma_wait3A_49 = arith.constant 0 : i32
    %dma_wait3A_50 = arith.constant 0 : i32
    %dma_wait3A_51 = tpu.memref_slice %arg9[%dma_wait3A_47, %dma_wait3A_49, %dma_wait3A_50] : memref<4x80x128xf32, #tpu.memory_space<vmem>> -> memref<1x80x128xf32, #tpu.memory_space<vmem>>
    %dma_wait3A_52 = tpu.memref_squeeze %dma_wait3A_51 : memref<1x80x128xf32, #tpu.memory_space<vmem>> -> memref<80x128xf32, #tpu.memory_space<vmem>>
    %dma_wait3A_53 = arith.constant 0 : i32
    %dma_wait3A_54 = tpu.memref_slice %arg8[%dma_wait3A_48, %dma_wait3A_53] : memref<4x80xi32, #tpu.memory_space<vmem>> -> memref<1x80xi32, #tpu.memory_space<vmem>>
    %dma_wait3A_55 = tpu.memref_squeeze %dma_wait3A_54 : memref<1x80xi32, #tpu.memory_space<vmem>> -> memref<80xi32, #tpu.memory_space<vmem>>
    %dma_wait3A_56 = arith.constant 0 : i32
    %dma_wait3A_57 = arith.constant 0 : i32
    %dma_wait3A_58 = tpu.memref_slice %arg10[%dma_wait3A_56, %dma_wait3A_57] : memref<10240x128xf32, #tpu.memory_space<vmem_shared>> -> memref<10240x128xf32, #tpu.memory_space<vmem_shared>>
    tpu.wait_indirect_dma semaphore(%arg26 : memref<!tpu.dma_semaphore, #tpu.memory_space<semaphore_mem>>) src(%dma_wait3A_52 : memref<80x128xf32, #tpu.memory_space<vmem>>) dst(%dma_wait3A_58 : memref<10240x128xf32, #tpu.memory_space<vmem_shared>>)
    %add3A_59 = arith.constant 9920 : i32
    %add3A_60 = arith.addi %mul3A_6, %add3A_59 : i32
    %run_scoped3A = arith.constant 0 : i32
    "tpu.region"() ({
      %run_scoped3A_69 = tpu.sem_alloc : memref<!tpu.dma_semaphore, #tpu.memory_space<semaphore_mem>>
      %dma_start3A = arith.constant 0 : i32
      %dma_start3A_70 = tpu.memref_slice %arg7[%run_scoped3A, %dma_start3A] : memref<4x80xi32, #tpu.memory_space<vmem>> -> memref<1x80xi32, #tpu.memory_space<vmem>>
      %dma_start3A_71 = tpu.memref_squeeze %dma_start3A_70 : memref<1x80xi32, #tpu.memory_space<vmem>> -> memref<80xi32, #tpu.memory_space<vmem>>
      %dma_start3A_72 = tpu.memref_slice %arg2[%add3A_60] : memref<320000xi32, #tpu.memory_space<hbm>> -> memref<80xi32, #tpu.memory_space<hbm>>
      %dma_start3A_73 = arith.constant 0 : i32
      %dma_start3A_74 = tpu.memref_slice %arg7[%run_scoped3A, %dma_start3A_73] : memref<4x80xi32, #tpu.memory_space<vmem>> -> memref<1x80xi32, #tpu.memory_space<vmem>>
      %dma_start3A_75 = tpu.memref_squeeze %dma_start3A_74 : memref<1x80xi32, #tpu.memory_space<vmem>> -> memref<80xi32, #tpu.memory_space<vmem>>
      %dma_start3A_76 = tpu.memref_slice %arg2[%add3A_60] : memref<320000xi32, #tpu.memory_space<hbm>> -> memref<80xi32, #tpu.memory_space<hbm>>
      tpu.enqueue_dma source(%dma_start3A_76 : memref<80xi32, #tpu.memory_space<hbm>>) target(%dma_start3A_75 : memref<80xi32, #tpu.memory_space<vmem>>) target_semaphore(%run_scoped3A_69 : memref<!tpu.dma_semaphore, #tpu.memory_space<semaphore_mem>>)
      %dma_wait3A_77 = arith.constant 0 : i32
      %dma_wait3A_78 = tpu.memref_slice %arg7[%run_scoped3A, %dma_wait3A_77] : memref<4x80xi32, #tpu.memory_space<vmem>> -> memref<1x80xi32, #tpu.memory_space<vmem>>
      %dma_wait3A_79 = tpu.memref_squeeze %dma_wait3A_78 : memref<1x80xi32, #tpu.memory_space<vmem>> -> memref<80xi32, #tpu.memory_space<vmem>>
      %dma_wait3A_80 = tpu.memref_slice %arg2[%add3A_60] : memref<320000xi32, #tpu.memory_space<hbm>> -> memref<80xi32, #tpu.memory_space<hbm>>
      %dma_wait3A_81 = arith.constant 0 : i32
      %dma_wait3A_82 = tpu.memref_slice %arg7[%run_scoped3A, %dma_wait3A_81] : memref<4x80xi32, #tpu.memory_space<vmem>> -> memref<1x80xi32, #tpu.memory_space<vmem>>
      %dma_wait3A_83 = tpu.memref_squeeze %dma_wait3A_82 : memref<1x80xi32, #tpu.memory_space<vmem>> -> memref<80xi32, #tpu.memory_space<vmem>>
      %dma_wait3A_84 = tpu.memref_slice %arg2[%add3A_60] : memref<320000xi32, #tpu.memory_space<hbm>> -> memref<80xi32, #tpu.memory_space<hbm>>
      tpu.wait_dma2 semaphore(%run_scoped3A_69 : memref<!tpu.dma_semaphore, #tpu.memory_space<semaphore_mem>>) src(%dma_wait3A_84 : memref<80xi32, #tpu.memory_space<hbm>>) dst(%dma_wait3A_83 : memref<80xi32, #tpu.memory_space<vmem>>)
      tpu.yield
    }) : () -> ()
    %add3A_61 = arith.constant 9920 : i32
    %add3A_62 = arith.addi %mul3A_6, %add3A_61 : i32
    %run_scoped3A_63 = arith.constant 0 : i32
    "tpu.region"() ({
      %run_scoped3A_69 = tpu.sem_alloc : memref<!tpu.dma_semaphore, #tpu.memory_space<semaphore_mem>>
      %dma_start3A = arith.constant 0 : i32
      %dma_start3A_70 = tpu.memref_slice %arg8[%run_scoped3A_63, %dma_start3A] : memref<4x80xi32, #tpu.memory_space<vmem>> -> memref<1x80xi32, #tpu.memory_space<vmem>>
      %dma_start3A_71 = tpu.memref_squeeze %dma_start3A_70 : memref<1x80xi32, #tpu.memory_space<vmem>> -> memref<80xi32, #tpu.memory_space<vmem>>
      %dma_start3A_72 = tpu.memref_slice %arg3[%add3A_62] : memref<320000xi32, #tpu.memory_space<hbm>> -> memref<80xi32, #tpu.memory_space<hbm>>
      %dma_start3A_73 = arith.constant 0 : i32
      %dma_start3A_74 = tpu.memref_slice %arg8[%run_scoped3A_63, %dma_start3A_73] : memref<4x80xi32, #tpu.memory_space<vmem>> -> memref<1x80xi32, #tpu.memory_space<vmem>>
      %dma_start3A_75 = tpu.memref_squeeze %dma_start3A_74 : memref<1x80xi32, #tpu.memory_space<vmem>> -> memref<80xi32, #tpu.memory_space<vmem>>
      %dma_start3A_76 = tpu.memref_slice %arg3[%add3A_62] : memref<320000xi32, #tpu.memory_space<hbm>> -> memref<80xi32, #tpu.memory_space<hbm>>
      tpu.enqueue_dma source(%dma_start3A_76 : memref<80xi32, #tpu.memory_space<hbm>>) target(%dma_start3A_75 : memref<80xi32, #tpu.memory_space<vmem>>) target_semaphore(%run_scoped3A_69 : memref<!tpu.dma_semaphore, #tpu.memory_space<semaphore_mem>>)
      %dma_wait3A_77 = arith.constant 0 : i32
      %dma_wait3A_78 = tpu.memref_slice %arg8[%run_scoped3A_63, %dma_wait3A_77] : memref<4x80xi32, #tpu.memory_space<vmem>> -> memref<1x80xi32, #tpu.memory_space<vmem>>
      %dma_wait3A_79 = tpu.memref_squeeze %dma_wait3A_78 : memref<1x80xi32, #tpu.memory_space<vmem>> -> memref<80xi32, #tpu.memory_space<vmem>>
      %dma_wait3A_80 = tpu.memref_slice %arg3[%add3A_62] : memref<320000xi32, #tpu.memory_space<hbm>> -> memref<80xi32, #tpu.memory_space<hbm>>
      %dma_wait3A_81 = arith.constant 0 : i32
      %dma_wait3A_82 = tpu.memref_slice %arg8[%run_scoped3A_63, %dma_wait3A_81] : memref<4x80xi32, #tpu.memory_space<vmem>> -> memref<1x80xi32, #tpu.memory_space<vmem>>
      %dma_wait3A_83 = tpu.memref_squeeze %dma_wait3A_82 : memref<1x80xi32, #tpu.memory_space<vmem>> -> memref<80xi32, #tpu.memory_space<vmem>>
      %dma_wait3A_84 = tpu.memref_slice %arg3[%add3A_62] : memref<320000xi32, #tpu.memory_space<hbm>> -> memref<80xi32, #tpu.memory_space<hbm>>
      tpu.wait_dma2 semaphore(%run_scoped3A_69 : memref<!tpu.dma_semaphore, #tpu.memory_space<semaphore_mem>>) src(%dma_wait3A_84 : memref<80xi32, #tpu.memory_space<hbm>>) dst(%dma_wait3A_83 : memref<80xi32, #tpu.memory_space<vmem>>)
      tpu.yield
    }) : () -> ()
    %run_scoped3A_64 = arith.constant 0 : i32
    %run_scoped3A_65 = arith.constant 0 : i32
    "tpu.region"() ({
      %run_scoped3A_69 = tpu.sem_alloc : memref<!tpu.dma_semaphore, #tpu.memory_space<semaphore_mem>>
      %dma_start3A = arith.constant 0 : i32
      %dma_start3A_70 = arith.constant 0 : i32
      %dma_start3A_71 = tpu.memref_slice %arg9[%run_scoped3A_65, %dma_start3A, %dma_start3A_70] : memref<4x80x128xf32, #tpu.memory_space<vmem>> -> memref<1x80x128xf32, #tpu.memory_space<vmem>>
      %dma_start3A_72 = tpu.memref_squeeze %dma_start3A_71 : memref<1x80x128xf32, #tpu.memory_space<vmem>> -> memref<80x128xf32, #tpu.memory_space<vmem>>
      %dma_start3A_73 = arith.constant 0 : i32
      %dma_start3A_74 = tpu.memref_slice %arg7[%run_scoped3A_64, %dma_start3A_73] : memref<4x80xi32, #tpu.memory_space<vmem>> -> memref<1x80xi32, #tpu.memory_space<vmem>>
      %dma_start3A_75 = tpu.memref_squeeze %dma_start3A_74 : memref<1x80xi32, #tpu.memory_space<vmem>> -> memref<80xi32, #tpu.memory_space<vmem>>
      %dma_start3A_76 = arith.constant 0 : i32
      %dma_start3A_77 = arith.constant 0 : i32
      %dma_start3A_78 = tpu.memref_slice %arg4[%dma_start3A_76, %dma_start3A_77] : memref<10000x128xf32, #tpu.memory_space<hbm>> -> memref<10000x128xf32, #tpu.memory_space<hbm>>
      tpu.enqueue_indirect_dma source(%dma_start3A_78 : memref<10000x128xf32, #tpu.memory_space<hbm>>) target(%dma_start3A_72 : memref<80x128xf32, #tpu.memory_space<vmem>>) offsets(%dma_start3A_75 : memref<80xi32, #tpu.memory_space<vmem>>) semaphore(%run_scoped3A_69 : memref<!tpu.dma_semaphore, #tpu.memory_space<semaphore_mem>>)
      %dma_wait3A_79 = arith.constant 0 : i32
      %dma_wait3A_80 = arith.constant 0 : i32
      %dma_wait3A_81 = tpu.memref_slice %arg9[%run_scoped3A_65, %dma_wait3A_79, %dma_wait3A_80] : memref<4x80x128xf32, #tpu.memory_space<vmem>> -> memref<1x80x128xf32, #tpu.memory_space<vmem>>
      %dma_wait3A_82 = tpu.memref_squeeze %dma_wait3A_81 : memref<1x80x128xf32, #tpu.memory_space<vmem>> -> memref<80x128xf32, #tpu.memory_space<vmem>>
      %dma_wait3A_83 = arith.constant 0 : i32
      %dma_wait3A_84 = tpu.memref_slice %arg7[%run_scoped3A_64, %dma_wait3A_83] : memref<4x80xi32, #tpu.memory_space<vmem>> -> memref<1x80xi32, #tpu.memory_space<vmem>>
      %dma_wait3A_85 = tpu.memref_squeeze %dma_wait3A_84 : memref<1x80xi32, #tpu.memory_space<vmem>> -> memref<80xi32, #tpu.memory_space<vmem>>
      %dma_wait3A_86 = arith.constant 0 : i32
      %dma_wait3A_87 = arith.constant 0 : i32
      %dma_wait3A_88 = tpu.memref_slice %arg4[%dma_wait3A_86, %dma_wait3A_87] : memref<10000x128xf32, #tpu.memory_space<hbm>> -> memref<10000x128xf32, #tpu.memory_space<hbm>>
      tpu.wait_indirect_dma semaphore(%run_scoped3A_69 : memref<!tpu.dma_semaphore, #tpu.memory_space<semaphore_mem>>) src(%dma_wait3A_88 : memref<10000x128xf32, #tpu.memory_space<hbm>>) dst(%dma_wait3A_82 : memref<80x128xf32, #tpu.memory_space<vmem>>)
      tpu.yield
    }) : () -> ()
    %run_scoped3A_66 = arith.constant 0 : i32
    %run_scoped3A_67 = arith.constant 0 : i32
    "tpu.region"() ({
      %run_scoped3A_69 = tpu.sem_alloc : memref<!tpu.dma_semaphore, #tpu.memory_space<semaphore_mem>>
      %dma_start3A = arith.constant 0 : i32
      %dma_start3A_70 = arith.constant 0 : i32
      %dma_start3A_71 = tpu.memref_slice %arg9[%run_scoped3A_66, %dma_start3A, %dma_start3A_70] : memref<4x80x128xf32, #tpu.memory_space<vmem>> -> memref<1x80x128xf32, #tpu.memory_space<vmem>>
      %dma_start3A_72 = tpu.memref_squeeze %dma_start3A_71 : memref<1x80x128xf32, #tpu.memory_space<vmem>> -> memref<80x128xf32, #tpu.memory_space<vmem>>
      %dma_start3A_73 = arith.constant 0 : i32
      %dma_start3A_74 = tpu.memref_slice %arg8[%run_scoped3A_67, %dma_start3A_73] : memref<4x80xi32, #tpu.memory_space<vmem>> -> memref<1x80xi32, #tpu.memory_space<vmem>>
      %dma_start3A_75 = tpu.memref_squeeze %dma_start3A_74 : memref<1x80xi32, #tpu.memory_space<vmem>> -> memref<80xi32, #tpu.memory_space<vmem>>
      %dma_start3A_76 = arith.constant 0 : i32
      %dma_start3A_77 = arith.constant 0 : i32
      %dma_start3A_78 = tpu.memref_slice %arg10[%dma_start3A_76, %dma_start3A_77] : memref<10240x128xf32, #tpu.memory_space<vmem_shared>> -> memref<10240x128xf32, #tpu.memory_space<vmem_shared>>
      tpu.enqueue_indirect_dma source(%dma_start3A_72 : memref<80x128xf32, #tpu.memory_space<vmem>>) target(%dma_start3A_78 : memref<10240x128xf32, #tpu.memory_space<vmem_shared>>) offsets(%dma_start3A_75 : memref<80xi32, #tpu.memory_space<vmem>>) semaphore(%run_scoped3A_69 : memref<!tpu.dma_semaphore, #tpu.memory_space<semaphore_mem>>) {add = true}
      %dma_wait3A_79 = arith.constant 0 : i32
      %dma_wait3A_80 = arith.constant 0 : i32
      %dma_wait3A_81 = tpu.memref_slice %arg9[%run_scoped3A_66, %dma_wait3A_79, %dma_wait3A_80] : memref<4x80x128xf32, #tpu.memory_space<vmem>> -> memref<1x80x128xf32, #tpu.memory_space<vmem>>
      %dma_wait3A_82 = tpu.memref_squeeze %dma_wait3A_81 : memref<1x80x128xf32, #tpu.memory_space<vmem>> -> memref<80x128xf32, #tpu.memory_space<vmem>>
      %dma_wait3A_83 = arith.constant 0 : i32
      %dma_wait3A_84 = tpu.memref_slice %arg8[%run_scoped3A_67, %dma_wait3A_83] : memref<4x80xi32, #tpu.memory_space<vmem>> -> memref<1x80xi32, #tpu.memory_space<vmem>>
      %dma_wait3A_85 = tpu.memref_squeeze %dma_wait3A_84 : memref<1x80xi32, #tpu.memory_space<vmem>> -> memref<80xi32, #tpu.memory_space<vmem>>
      %dma_wait3A_86 = arith.constant 0 : i32
      %dma_wait3A_87 = arith.constant 0 : i32
      %dma_wait3A_88 = tpu.memref_slice %arg10[%dma_wait3A_86, %dma_wait3A_87] : memref<10240x128xf32, #tpu.memory_space<vmem_shared>> -> memref<10240x128xf32, #tpu.memory_space<vmem_shared>>
      tpu.wait_indirect_dma semaphore(%run_scoped3A_69 : memref<!tpu.dma_semaphore, #tpu.memory_space<semaphore_mem>>) src(%dma_wait3A_82 : memref<80x128xf32, #tpu.memory_space<vmem>>) dst(%dma_wait3A_88 : memref<10240x128xf32, #tpu.memory_space<vmem_shared>>)
      tpu.yield
    }) : () -> ()
    %barrier3A_68 = arith.constant 0 : index
    tpu.barrier barrier_id(%barrier3A_68)
    "tpu.region"() ({
      %run_scoped3A_69 = tpu.sem_alloc : memref<!tpu.dma_semaphore, #tpu.memory_space<semaphore_mem>>
      %dma_start3A = arith.constant 0 : i32
      %dma_start3A_70 = tpu.memref_slice %arg6[%arg0, %mul3A_2, %dma_start3A] : memref<2x10240x128xf32, #tpu.memory_space<hbm>> -> memref<1x640x128xf32, #tpu.memory_space<hbm>>
      %dma_start3A_71 = tpu.memref_squeeze %dma_start3A_70 : memref<1x640x128xf32, #tpu.memory_space<hbm>> -> memref<640x128xf32, #tpu.memory_space<hbm>>
      %dma_start3A_72 = arith.constant 0 : i32
      %dma_start3A_73 = tpu.memref_slice %arg10[%mul3A_2, %dma_start3A_72] : memref<10240x128xf32, #tpu.memory_space<vmem_shared>> -> memref<640x128xf32, #tpu.memory_space<vmem_shared>>
      tpu.enqueue_dma source(%dma_start3A_73 : memref<640x128xf32, #tpu.memory_space<vmem_shared>>) target(%dma_start3A_71 : memref<640x128xf32, #tpu.memory_space<hbm>>) target_semaphore(%run_scoped3A_69 : memref<!tpu.dma_semaphore, #tpu.memory_space<semaphore_mem>>)
      %dma_wait3A_74 = arith.constant 0 : i32
      %dma_wait3A_75 = tpu.memref_slice %arg6[%arg0, %mul3A_2, %dma_wait3A_74] : memref<2x10240x128xf32, #tpu.memory_space<hbm>> -> memref<1x640x128xf32, #tpu.memory_space<hbm>>
      %dma_wait3A_76 = tpu.memref_squeeze %dma_wait3A_75 : memref<1x640x128xf32, #tpu.memory_space<hbm>> -> memref<640x128xf32, #tpu.memory_space<hbm>>
      %dma_wait3A_77 = arith.constant 0 : i32
      %dma_wait3A_78 = tpu.memref_slice %arg10[%mul3A_2, %dma_wait3A_77] : memref<10240x128xf32, #tpu.memory_space<vmem_shared>> -> memref<640x128xf32, #tpu.memory_space<vmem_shared>>
      tpu.wait_dma2 semaphore(%run_scoped3A_69 : memref<!tpu.dma_semaphore, #tpu.memory_space<semaphore_mem>>) src(%dma_wait3A_78 : memref<640x128xf32, #tpu.memory_space<vmem_shared>>) dst(%dma_wait3A_76 : memref<640x128xf32, #tpu.memory_space<hbm>>)
      tpu.yield
    }) : () -> ()
    return
  }
}

#map = affine_map<(d0, d1) -> (0, 0, 0)>
#map1 = affine_map<(d0, d1) -> (0)>
module attributes {stable_mosaic.version = 14 : i64} {
  func.func @k(%arg0: i32, %arg1: i32, %arg2: memref<32x125x80xi32, #tpu.memory_space<hbm>>, %arg3: memref<10240xf32, #tpu.memory_space<hbm>>, %arg4: memref<20480xf32, #tpu.memory_space<hbm>>, %arg5: memref<125x80xi32, #tpu.memory_space<vmem>>, %arg6: memref<80xf32, #tpu.memory_space<vmem>>, %arg7: memref<10240xf32, #tpu.memory_space<vmem_shared>>, %arg8: memref<!tpu.dma_semaphore, #tpu.memory_space<semaphore_mem>>, %arg9: memref<!tpu.dma_semaphore, #tpu.memory_space<semaphore_mem>>, %arg10: memref<!tpu.dma_semaphore, #tpu.memory_space<semaphore_mem>>, %arg11: memref<!tpu.dma_semaphore, #tpu.memory_space<semaphore_mem>>, %arg12: memref<!tpu.dma_semaphore, #tpu.memory_space<semaphore_mem>>, %arg13: memref<!tpu.dma_semaphore, #tpu.memory_space<semaphore_mem>>, %arg14: memref<!tpu.dma_semaphore, #tpu.memory_space<semaphore_mem>>, %arg15: memref<!tpu.dma_semaphore, #tpu.memory_space<semaphore_mem>>) attributes {dimension_semantics = [#tpu.dimension_semantics<core_parallel>, #tpu.dimension_semantics<subcore_parallel>], iteration_bounds = array<i64: 2, 16>, scalar_prefetch = 0 : i64, scratch_operands = 11 : i64, tpu.core_type = #tpu.core_type<sc_vector_subcore>, window_params = [{transform_indices = #map}, {transform_indices = #map1}, {transform_indices = #map1}]} {
    %mul3A = arith.constant 2 : i32
    %mul3A_0 = arith.muli %arg1, %mul3A : i32
    %add3A = arith.addi %mul3A_0, %arg0 : i32
    %broadcast_in_dim3A = arith.constant 1.000000e+00 : f32
    %broadcast_in_dim3A_1 = vector.broadcast %broadcast_in_dim3A : f32 to vector<16xf32>
    %swap3A = arith.constant 0 : index
    %swap3A_2 = tpu.vector_load %arg6[%swap3A] {strides = array<i32>} : memref<80xf32, #tpu.memory_space<vmem>>, vector<16xf32>,
    %swap3A_3 = vector.shape_cast %swap3A_2 : vector<16xf32> to vector<16xf32>
    %swap3A_4 = vector.shape_cast %broadcast_in_dim3A_1 : vector<16xf32> to vector<16xf32>
    tpu.vector_store %arg6[%swap3A], %swap3A_4 {strides = array<i32>} : memref<80xf32, #tpu.memory_space<vmem>>, vector<16xf32>,
    %broadcast_in_dim3A_5 = arith.constant 1.000000e+00 : f32
    %broadcast_in_dim3A_6 = vector.broadcast %broadcast_in_dim3A_5 : f32 to vector<16xf32>
    %swap3A_7 = arith.constant 16 : index
    %swap3A_8 = tpu.vector_load %arg6[%swap3A_7] {strides = array<i32>} : memref<80xf32, #tpu.memory_space<vmem>>, vector<16xf32>,
    %swap3A_9 = vector.shape_cast %swap3A_8 : vector<16xf32> to vector<16xf32>
    %swap3A_10 = vector.shape_cast %broadcast_in_dim3A_6 : vector<16xf32> to vector<16xf32>
    tpu.vector_store %arg6[%swap3A_7], %swap3A_10 {strides = array<i32>} : memref<80xf32, #tpu.memory_space<vmem>>, vector<16xf32>,
    %broadcast_in_dim3A_11 = arith.constant 1.000000e+00 : f32
    %broadcast_in_dim3A_12 = vector.broadcast %broadcast_in_dim3A_11 : f32 to vector<16xf32>
    %swap3A_13 = arith.constant 32 : index
    %swap3A_14 = tpu.vector_load %arg6[%swap3A_13] {strides = array<i32>} : memref<80xf32, #tpu.memory_space<vmem>>, vector<16xf32>,
    %swap3A_15 = vector.shape_cast %swap3A_14 : vector<16xf32> to vector<16xf32>
    %swap3A_16 = vector.shape_cast %broadcast_in_dim3A_12 : vector<16xf32> to vector<16xf32>
    tpu.vector_store %arg6[%swap3A_13], %swap3A_16 {strides = array<i32>} : memref<80xf32, #tpu.memory_space<vmem>>, vector<16xf32>,
    %broadcast_in_dim3A_17 = arith.constant 1.000000e+00 : f32
    %broadcast_in_dim3A_18 = vector.broadcast %broadcast_in_dim3A_17 : f32 to vector<16xf32>
    %swap3A_19 = arith.constant 48 : index
    %swap3A_20 = tpu.vector_load %arg6[%swap3A_19] {strides = array<i32>} : memref<80xf32, #tpu.memory_space<vmem>>, vector<16xf32>,
    %swap3A_21 = vector.shape_cast %swap3A_20 : vector<16xf32> to vector<16xf32>
    %swap3A_22 = vector.shape_cast %broadcast_in_dim3A_18 : vector<16xf32> to vector<16xf32>
    tpu.vector_store %arg6[%swap3A_19], %swap3A_22 {strides = array<i32>} : memref<80xf32, #tpu.memory_space<vmem>>, vector<16xf32>,
    %broadcast_in_dim3A_23 = arith.constant 1.000000e+00 : f32
    %broadcast_in_dim3A_24 = vector.broadcast %broadcast_in_dim3A_23 : f32 to vector<16xf32>
    %swap3A_25 = arith.constant 64 : index
    %swap3A_26 = tpu.vector_load %arg6[%swap3A_25] {strides = array<i32>} : memref<80xf32, #tpu.memory_space<vmem>>, vector<16xf32>,
    %swap3A_27 = vector.shape_cast %swap3A_26 : vector<16xf32> to vector<16xf32>
    %swap3A_28 = vector.shape_cast %broadcast_in_dim3A_24 : vector<16xf32> to vector<16xf32>
    tpu.vector_store %arg6[%swap3A_25], %swap3A_28 {strides = array<i32>} : memref<80xf32, #tpu.memory_space<vmem>>, vector<16xf32>,
    %mul3A_29 = arith.constant 640 : i32
    %mul3A_30 = arith.muli %arg1, %mul3A_29 : i32
    "tpu.region"() ({
      %run_scoped3A_91 = tpu.sem_alloc : memref<!tpu.dma_semaphore, #tpu.memory_space<semaphore_mem>>
      %dma_start3A = arith.constant 0 : i32
      %dma_start3A_92 = arith.constant 0 : i32
      %dma_start3A_93 = tpu.memref_slice %arg2[%add3A, %dma_start3A, %dma_start3A_92] : memref<32x125x80xi32, #tpu.memory_space<hbm>> -> memref<1x125x80xi32, #tpu.memory_space<hbm>>
      %dma_start3A_94 = tpu.memref_squeeze %dma_start3A_93 : memref<1x125x80xi32, #tpu.memory_space<hbm>> -> memref<125x80xi32, #tpu.memory_space<hbm>>
      %dma_start3A_95 = arith.constant 0 : i32
      %dma_start3A_96 = arith.constant 0 : i32
      %dma_start3A_97 = tpu.memref_slice %arg2[%add3A, %dma_start3A_95, %dma_start3A_96] : memref<32x125x80xi32, #tpu.memory_space<hbm>> -> memref<1x125x80xi32, #tpu.memory_space<hbm>>
      %dma_start3A_98 = tpu.memref_squeeze %dma_start3A_97 : memref<1x125x80xi32, #tpu.memory_space<hbm>> -> memref<125x80xi32, #tpu.memory_space<hbm>>
      tpu.enqueue_dma source(%dma_start3A_98 : memref<125x80xi32, #tpu.memory_space<hbm>>) target(%arg5 : memref<125x80xi32, #tpu.memory_space<vmem>>) target_semaphore(%run_scoped3A_91 : memref<!tpu.dma_semaphore, #tpu.memory_space<semaphore_mem>>)
      %dma_wait3A_99 = arith.constant 0 : i32
      %dma_wait3A_100 = arith.constant 0 : i32
      %dma_wait3A_101 = tpu.memref_slice %arg2[%add3A, %dma_wait3A_99, %dma_wait3A_100] : memref<32x125x80xi32, #tpu.memory_space<hbm>> -> memref<1x125x80xi32, #tpu.memory_space<hbm>>
      %dma_wait3A_102 = tpu.memref_squeeze %dma_wait3A_101 : memref<1x125x80xi32, #tpu.memory_space<hbm>> -> memref<125x80xi32, #tpu.memory_space<hbm>>
      %dma_wait3A_103 = arith.constant 0 : i32
      %dma_wait3A_104 = arith.constant 0 : i32
      %dma_wait3A_105 = tpu.memref_slice %arg2[%add3A, %dma_wait3A_103, %dma_wait3A_104] : memref<32x125x80xi32, #tpu.memory_space<hbm>> -> memref<1x125x80xi32, #tpu.memory_space<hbm>>
      %dma_wait3A_106 = tpu.memref_squeeze %dma_wait3A_105 : memref<1x125x80xi32, #tpu.memory_space<hbm>> -> memref<125x80xi32, #tpu.memory_space<hbm>>
      tpu.wait_dma2 semaphore(%run_scoped3A_91 : memref<!tpu.dma_semaphore, #tpu.memory_space<semaphore_mem>>) src(%dma_wait3A_106 : memref<125x80xi32, #tpu.memory_space<hbm>>) dst(%arg5 : memref<125x80xi32, #tpu.memory_space<vmem>>)
      tpu.yield
    }) : () -> ()
    "tpu.region"() ({
      %run_scoped3A_91 = tpu.sem_alloc : memref<!tpu.dma_semaphore, #tpu.memory_space<semaphore_mem>>
      %dma_start3A = tpu.memref_slice %arg7[%mul3A_30] : memref<10240xf32, #tpu.memory_space<vmem_shared>> -> memref<640xf32, #tpu.memory_space<vmem_shared>>
      %dma_start3A_92 = tpu.memref_slice %arg3[%mul3A_30] : memref<10240xf32, #tpu.memory_space<hbm>> -> memref<640xf32, #tpu.memory_space<hbm>>
      tpu.enqueue_dma source(%dma_start3A_92 : memref<640xf32, #tpu.memory_space<hbm>>) target(%dma_start3A : memref<640xf32, #tpu.memory_space<vmem_shared>>) target_semaphore(%run_scoped3A_91 : memref<!tpu.dma_semaphore, #tpu.memory_space<semaphore_mem>>)
      %dma_wait3A_93 = tpu.memref_slice %arg7[%mul3A_30] : memref<10240xf32, #tpu.memory_space<vmem_shared>> -> memref<640xf32, #tpu.memory_space<vmem_shared>>
      %dma_wait3A_94 = tpu.memref_slice %arg3[%mul3A_30] : memref<10240xf32, #tpu.memory_space<hbm>> -> memref<640xf32, #tpu.memory_space<hbm>>
      tpu.wait_dma2 semaphore(%run_scoped3A_91 : memref<!tpu.dma_semaphore, #tpu.memory_space<semaphore_mem>>) src(%dma_wait3A_94 : memref<640xf32, #tpu.memory_space<hbm>>) dst(%dma_wait3A_93 : memref<640xf32, #tpu.memory_space<vmem_shared>>)
      tpu.yield
    }) : () -> ()
    %barrier3A = arith.constant 0 : index
    tpu.barrier barrier_id(%barrier3A)
    %scan3A = arith.constant 0 : i32
    %scan3A_31 = arith.constant 0 : i32
    %scan3A_32 = arith.constant 15 : i32
    %scan3A_33 = arith.addi %scan3A_31, %scan3A_32 : i32
    %scan3A_34 = arith.constant 1 : i32
    scf.for %scan3A_91 = %scan3A_31 to %scan3A_33 step %scan3A_34  : i32 {
      %mul3A_92 = arith.constant 8 : i32
      %mul3A_93 = arith.muli %scan3A_91, %mul3A_92 : i32
      %gt3A = arith.constant 0 : i32
      %gt3A_94 = arith.cmpi sgt, %scan3A_91, %gt3A : i32
      %convert_element_type3A = arith.extui %gt3A_94 : i1 to i32
      %cond3A = arith.constant 0 : i32
      %cond3A_95 = arith.cmpi ne, %convert_element_type3A, %cond3A : i32
      scf.if %cond3A_95 {
        %add3A_186 = arith.constant 0 : i32
        %add3A_187 = arith.addi %mul3A_93, %add3A_186 : i32
        %dma_wait3A_188 = arith.constant 0 : i32
        %dma_wait3A_189 = tpu.memref_slice %arg5[%add3A_187, %dma_wait3A_188] : memref<125x80xi32, #tpu.memory_space<vmem>> -> memref<1x80xi32, #tpu.memory_space<vmem>>
        %dma_wait3A_190 = tpu.memref_squeeze %dma_wait3A_189 : memref<1x80xi32, #tpu.memory_space<vmem>> -> memref<80xi32, #tpu.memory_space<vmem>>
        %dma_wait3A_191 = arith.constant 0 : i32
        %dma_wait3A_192 = tpu.memref_slice %arg7[%dma_wait3A_191] : memref<10240xf32, #tpu.memory_space<vmem_shared>> -> memref<10240xf32, #tpu.memory_space<vmem_shared>>
        tpu.wait_indirect_dma semaphore(%arg8 : memref<!tpu.dma_semaphore, #tpu.memory_space<semaphore_mem>>) src(%arg6 : memref<80xf32, #tpu.memory_space<vmem>>) dst(%dma_wait3A_192 : memref<10240xf32, #tpu.memory_space<vmem_shared>>)
      } else {
      }
      %add3A_96 = arith.constant 0 : i32
      %add3A_97 = arith.addi %mul3A_93, %add3A_96 : i32
      %dma_start3A = arith.constant 0 : i32
      %dma_start3A_98 = tpu.memref_slice %arg5[%add3A_97, %dma_start3A] : memref<125x80xi32, #tpu.memory_space<vmem>> -> memref<1x80xi32, #tpu.memory_space<vmem>>
      %dma_start3A_99 = tpu.memref_squeeze %dma_start3A_98 : memref<1x80xi32, #tpu.memory_space<vmem>> -> memref<80xi32, #tpu.memory_space<vmem>>
      %dma_start3A_100 = arith.constant 0 : i32
      %dma_start3A_101 = tpu.memref_slice %arg7[%dma_start3A_100] : memref<10240xf32, #tpu.memory_space<vmem_shared>> -> memref<10240xf32, #tpu.memory_space<vmem_shared>>
      tpu.enqueue_indirect_dma source(%arg6 : memref<80xf32, #tpu.memory_space<vmem>>) target(%dma_start3A_101 : memref<10240xf32, #tpu.memory_space<vmem_shared>>) offsets(%dma_start3A_99 : memref<80xi32, #tpu.memory_space<vmem>>) semaphore(%arg8 : memref<!tpu.dma_semaphore, #tpu.memory_space<semaphore_mem>>) {add = true}
      %gt3A_102 = arith.constant 0 : i32
      %gt3A_103 = arith.cmpi sgt, %scan3A_91, %gt3A_102 : i32
      %convert_element_type3A_104 = arith.extui %gt3A_103 : i1 to i32
      %cond3A_105 = arith.constant 0 : i32
      %cond3A_106 = arith.cmpi ne, %convert_element_type3A_104, %cond3A_105 : i32
      scf.if %cond3A_106 {
        %add3A_186 = arith.constant 1 : i32
        %add3A_187 = arith.addi %mul3A_93, %add3A_186 : i32
        %dma_wait3A_188 = arith.constant 0 : i32
        %dma_wait3A_189 = tpu.memref_slice %arg5[%add3A_187, %dma_wait3A_188] : memref<125x80xi32, #tpu.memory_space<vmem>> -> memref<1x80xi32, #tpu.memory_space<vmem>>
        %dma_wait3A_190 = tpu.memref_squeeze %dma_wait3A_189 : memref<1x80xi32, #tpu.memory_space<vmem>> -> memref<80xi32, #tpu.memory_space<vmem>>
        %dma_wait3A_191 = arith.constant 0 : i32
        %dma_wait3A_192 = tpu.memref_slice %arg7[%dma_wait3A_191] : memref<10240xf32, #tpu.memory_space<vmem_shared>> -> memref<10240xf32, #tpu.memory_space<vmem_shared>>
        tpu.wait_indirect_dma semaphore(%arg9 : memref<!tpu.dma_semaphore, #tpu.memory_space<semaphore_mem>>) src(%arg6 : memref<80xf32, #tpu.memory_space<vmem>>) dst(%dma_wait3A_192 : memref<10240xf32, #tpu.memory_space<vmem_shared>>)
      } else {
      }
      %add3A_107 = arith.constant 1 : i32
      %add3A_108 = arith.addi %mul3A_93, %add3A_107 : i32
      %dma_start3A_109 = arith.constant 0 : i32
      %dma_start3A_110 = tpu.memref_slice %arg5[%add3A_108, %dma_start3A_109] : memref<125x80xi32, #tpu.memory_space<vmem>> -> memref<1x80xi32, #tpu.memory_space<vmem>>
      %dma_start3A_111 = tpu.memref_squeeze %dma_start3A_110 : memref<1x80xi32, #tpu.memory_space<vmem>> -> memref<80xi32, #tpu.memory_space<vmem>>
      %dma_start3A_112 = arith.constant 0 : i32
      %dma_start3A_113 = tpu.memref_slice %arg7[%dma_start3A_112] : memref<10240xf32, #tpu.memory_space<vmem_shared>> -> memref<10240xf32, #tpu.memory_space<vmem_shared>>
      tpu.enqueue_indirect_dma source(%arg6 : memref<80xf32, #tpu.memory_space<vmem>>) target(%dma_start3A_113 : memref<10240xf32, #tpu.memory_space<vmem_shared>>) offsets(%dma_start3A_111 : memref<80xi32, #tpu.memory_space<vmem>>) semaphore(%arg9 : memref<!tpu.dma_semaphore, #tpu.memory_space<semaphore_mem>>) {add = true}
      %gt3A_114 = arith.constant 0 : i32
      %gt3A_115 = arith.cmpi sgt, %scan3A_91, %gt3A_114 : i32
      %convert_element_type3A_116 = arith.extui %gt3A_115 : i1 to i32
      %cond3A_117 = arith.constant 0 : i32
      %cond3A_118 = arith.cmpi ne, %convert_element_type3A_116, %cond3A_117 : i32
      scf.if %cond3A_118 {
        %add3A_186 = arith.constant 2 : i32
        %add3A_187 = arith.addi %mul3A_93, %add3A_186 : i32
        %dma_wait3A_188 = arith.constant 0 : i32
        %dma_wait3A_189 = tpu.memref_slice %arg5[%add3A_187, %dma_wait3A_188] : memref<125x80xi32, #tpu.memory_space<vmem>> -> memref<1x80xi32, #tpu.memory_space<vmem>>
        %dma_wait3A_190 = tpu.memref_squeeze %dma_wait3A_189 : memref<1x80xi32, #tpu.memory_space<vmem>> -> memref<80xi32, #tpu.memory_space<vmem>>
        %dma_wait3A_191 = arith.constant 0 : i32
        %dma_wait3A_192 = tpu.memref_slice %arg7[%dma_wait3A_191] : memref<10240xf32, #tpu.memory_space<vmem_shared>> -> memref<10240xf32, #tpu.memory_space<vmem_shared>>
        tpu.wait_indirect_dma semaphore(%arg10 : memref<!tpu.dma_semaphore, #tpu.memory_space<semaphore_mem>>) src(%arg6 : memref<80xf32, #tpu.memory_space<vmem>>) dst(%dma_wait3A_192 : memref<10240xf32, #tpu.memory_space<vmem_shared>>)
      } else {
      }
      %add3A_119 = arith.constant 2 : i32
      %add3A_120 = arith.addi %mul3A_93, %add3A_119 : i32
      %dma_start3A_121 = arith.constant 0 : i32
      %dma_start3A_122 = tpu.memref_slice %arg5[%add3A_120, %dma_start3A_121] : memref<125x80xi32, #tpu.memory_space<vmem>> -> memref<1x80xi32, #tpu.memory_space<vmem>>
      %dma_start3A_123 = tpu.memref_squeeze %dma_start3A_122 : memref<1x80xi32, #tpu.memory_space<vmem>> -> memref<80xi32, #tpu.memory_space<vmem>>
      %dma_start3A_124 = arith.constant 0 : i32
      %dma_start3A_125 = tpu.memref_slice %arg7[%dma_start3A_124] : memref<10240xf32, #tpu.memory_space<vmem_shared>> -> memref<10240xf32, #tpu.memory_space<vmem_shared>>
      tpu.enqueue_indirect_dma source(%arg6 : memref<80xf32, #tpu.memory_space<vmem>>) target(%dma_start3A_125 : memref<10240xf32, #tpu.memory_space<vmem_shared>>) offsets(%dma_start3A_123 : memref<80xi32, #tpu.memory_space<vmem>>) semaphore(%arg10 : memref<!tpu.dma_semaphore, #tpu.memory_space<semaphore_mem>>) {add = true}
      %gt3A_126 = arith.constant 0 : i32
      %gt3A_127 = arith.cmpi sgt, %scan3A_91, %gt3A_126 : i32
      %convert_element_type3A_128 = arith.extui %gt3A_127 : i1 to i32
      %cond3A_129 = arith.constant 0 : i32
      %cond3A_130 = arith.cmpi ne, %convert_element_type3A_128, %cond3A_129 : i32
      scf.if %cond3A_130 {
        %add3A_186 = arith.constant 3 : i32
        %add3A_187 = arith.addi %mul3A_93, %add3A_186 : i32
        %dma_wait3A_188 = arith.constant 0 : i32
        %dma_wait3A_189 = tpu.memref_slice %arg5[%add3A_187, %dma_wait3A_188] : memref<125x80xi32, #tpu.memory_space<vmem>> -> memref<1x80xi32, #tpu.memory_space<vmem>>
        %dma_wait3A_190 = tpu.memref_squeeze %dma_wait3A_189 : memref<1x80xi32, #tpu.memory_space<vmem>> -> memref<80xi32, #tpu.memory_space<vmem>>
        %dma_wait3A_191 = arith.constant 0 : i32
        %dma_wait3A_192 = tpu.memref_slice %arg7[%dma_wait3A_191] : memref<10240xf32, #tpu.memory_space<vmem_shared>> -> memref<10240xf32, #tpu.memory_space<vmem_shared>>
        tpu.wait_indirect_dma semaphore(%arg11 : memref<!tpu.dma_semaphore, #tpu.memory_space<semaphore_mem>>) src(%arg6 : memref<80xf32, #tpu.memory_space<vmem>>) dst(%dma_wait3A_192 : memref<10240xf32, #tpu.memory_space<vmem_shared>>)
      } else {
      }
      %add3A_131 = arith.constant 3 : i32
      %add3A_132 = arith.addi %mul3A_93, %add3A_131 : i32
      %dma_start3A_133 = arith.constant 0 : i32
      %dma_start3A_134 = tpu.memref_slice %arg5[%add3A_132, %dma_start3A_133] : memref<125x80xi32, #tpu.memory_space<vmem>> -> memref<1x80xi32, #tpu.memory_space<vmem>>
      %dma_start3A_135 = tpu.memref_squeeze %dma_start3A_134 : memref<1x80xi32, #tpu.memory_space<vmem>> -> memref<80xi32, #tpu.memory_space<vmem>>
      %dma_start3A_136 = arith.constant 0 : i32
      %dma_start3A_137 = tpu.memref_slice %arg7[%dma_start3A_136] : memref<10240xf32, #tpu.memory_space<vmem_shared>> -> memref<10240xf32, #tpu.memory_space<vmem_shared>>
      tpu.enqueue_indirect_dma source(%arg6 : memref<80xf32, #tpu.memory_space<vmem>>) target(%dma_start3A_137 : memref<10240xf32, #tpu.memory_space<vmem_shared>>) offsets(%dma_start3A_135 : memref<80xi32, #tpu.memory_space<vmem>>) semaphore(%arg11 : memref<!tpu.dma_semaphore, #tpu.memory_space<semaphore_mem>>) {add = true}
      %gt3A_138 = arith.constant 0 : i32
      %gt3A_139 = arith.cmpi sgt, %scan3A_91, %gt3A_138 : i32
      %convert_element_type3A_140 = arith.extui %gt3A_139 : i1 to i32
      %cond3A_141 = arith.constant 0 : i32
      %cond3A_142 = arith.cmpi ne, %convert_element_type3A_140, %cond3A_141 : i32
      scf.if %cond3A_142 {
        %add3A_186 = arith.constant 4 : i32
        %add3A_187 = arith.addi %mul3A_93, %add3A_186 : i32
        %dma_wait3A_188 = arith.constant 0 : i32
        %dma_wait3A_189 = tpu.memref_slice %arg5[%add3A_187, %dma_wait3A_188] : memref<125x80xi32, #tpu.memory_space<vmem>> -> memref<1x80xi32, #tpu.memory_space<vmem>>
        %dma_wait3A_190 = tpu.memref_squeeze %dma_wait3A_189 : memref<1x80xi32, #tpu.memory_space<vmem>> -> memref<80xi32, #tpu.memory_space<vmem>>
        %dma_wait3A_191 = arith.constant 0 : i32
        %dma_wait3A_192 = tpu.memref_slice %arg7[%dma_wait3A_191] : memref<10240xf32, #tpu.memory_space<vmem_shared>> -> memref<10240xf32, #tpu.memory_space<vmem_shared>>
        tpu.wait_indirect_dma semaphore(%arg12 : memref<!tpu.dma_semaphore, #tpu.memory_space<semaphore_mem>>) src(%arg6 : memref<80xf32, #tpu.memory_space<vmem>>) dst(%dma_wait3A_192 : memref<10240xf32, #tpu.memory_space<vmem_shared>>)
      } else {
      }
      %add3A_143 = arith.constant 4 : i32
      %add3A_144 = arith.addi %mul3A_93, %add3A_143 : i32
      %dma_start3A_145 = arith.constant 0 : i32
      %dma_start3A_146 = tpu.memref_slice %arg5[%add3A_144, %dma_start3A_145] : memref<125x80xi32, #tpu.memory_space<vmem>> -> memref<1x80xi32, #tpu.memory_space<vmem>>
      %dma_start3A_147 = tpu.memref_squeeze %dma_start3A_146 : memref<1x80xi32, #tpu.memory_space<vmem>> -> memref<80xi32, #tpu.memory_space<vmem>>
      %dma_start3A_148 = arith.constant 0 : i32
      %dma_start3A_149 = tpu.memref_slice %arg7[%dma_start3A_148] : memref<10240xf32, #tpu.memory_space<vmem_shared>> -> memref<10240xf32, #tpu.memory_space<vmem_shared>>
      tpu.enqueue_indirect_dma source(%arg6 : memref<80xf32, #tpu.memory_space<vmem>>) target(%dma_start3A_149 : memref<10240xf32, #tpu.memory_space<vmem_shared>>) offsets(%dma_start3A_147 : memref<80xi32, #tpu.memory_space<vmem>>) semaphore(%arg12 : memref<!tpu.dma_semaphore, #tpu.memory_space<semaphore_mem>>) {add = true}
      %gt3A_150 = arith.constant 0 : i32
      %gt3A_151 = arith.cmpi sgt, %scan3A_91, %gt3A_150 : i32
      %convert_element_type3A_152 = arith.extui %gt3A_151 : i1 to i32
      %cond3A_153 = arith.constant 0 : i32
      %cond3A_154 = arith.cmpi ne, %convert_element_type3A_152, %cond3A_153 : i32
      scf.if %cond3A_154 {
        %add3A_186 = arith.constant 5 : i32
        %add3A_187 = arith.addi %mul3A_93, %add3A_186 : i32
        %dma_wait3A_188 = arith.constant 0 : i32
        %dma_wait3A_189 = tpu.memref_slice %arg5[%add3A_187, %dma_wait3A_188] : memref<125x80xi32, #tpu.memory_space<vmem>> -> memref<1x80xi32, #tpu.memory_space<vmem>>
        %dma_wait3A_190 = tpu.memref_squeeze %dma_wait3A_189 : memref<1x80xi32, #tpu.memory_space<vmem>> -> memref<80xi32, #tpu.memory_space<vmem>>
        %dma_wait3A_191 = arith.constant 0 : i32
        %dma_wait3A_192 = tpu.memref_slice %arg7[%dma_wait3A_191] : memref<10240xf32, #tpu.memory_space<vmem_shared>> -> memref<10240xf32, #tpu.memory_space<vmem_shared>>
        tpu.wait_indirect_dma semaphore(%arg13 : memref<!tpu.dma_semaphore, #tpu.memory_space<semaphore_mem>>) src(%arg6 : memref<80xf32, #tpu.memory_space<vmem>>) dst(%dma_wait3A_192 : memref<10240xf32, #tpu.memory_space<vmem_shared>>)
      } else {
      }
      %add3A_155 = arith.constant 5 : i32
      %add3A_156 = arith.addi %mul3A_93, %add3A_155 : i32
      %dma_start3A_157 = arith.constant 0 : i32
      %dma_start3A_158 = tpu.memref_slice %arg5[%add3A_156, %dma_start3A_157] : memref<125x80xi32, #tpu.memory_space<vmem>> -> memref<1x80xi32, #tpu.memory_space<vmem>>
      %dma_start3A_159 = tpu.memref_squeeze %dma_start3A_158 : memref<1x80xi32, #tpu.memory_space<vmem>> -> memref<80xi32, #tpu.memory_space<vmem>>
      %dma_start3A_160 = arith.constant 0 : i32
      %dma_start3A_161 = tpu.memref_slice %arg7[%dma_start3A_160] : memref<10240xf32, #tpu.memory_space<vmem_shared>> -> memref<10240xf32, #tpu.memory_space<vmem_shared>>
      tpu.enqueue_indirect_dma source(%arg6 : memref<80xf32, #tpu.memory_space<vmem>>) target(%dma_start3A_161 : memref<10240xf32, #tpu.memory_space<vmem_shared>>) offsets(%dma_start3A_159 : memref<80xi32, #tpu.memory_space<vmem>>) semaphore(%arg13 : memref<!tpu.dma_semaphore, #tpu.memory_space<semaphore_mem>>) {add = true}
      %gt3A_162 = arith.constant 0 : i32
      %gt3A_163 = arith.cmpi sgt, %scan3A_91, %gt3A_162 : i32
      %convert_element_type3A_164 = arith.extui %gt3A_163 : i1 to i32
      %cond3A_165 = arith.constant 0 : i32
      %cond3A_166 = arith.cmpi ne, %convert_element_type3A_164, %cond3A_165 : i32
      scf.if %cond3A_166 {
        %add3A_186 = arith.constant 6 : i32
        %add3A_187 = arith.addi %mul3A_93, %add3A_186 : i32
        %dma_wait3A_188 = arith.constant 0 : i32
        %dma_wait3A_189 = tpu.memref_slice %arg5[%add3A_187, %dma_wait3A_188] : memref<125x80xi32, #tpu.memory_space<vmem>> -> memref<1x80xi32, #tpu.memory_space<vmem>>
        %dma_wait3A_190 = tpu.memref_squeeze %dma_wait3A_189 : memref<1x80xi32, #tpu.memory_space<vmem>> -> memref<80xi32, #tpu.memory_space<vmem>>
        %dma_wait3A_191 = arith.constant 0 : i32
        %dma_wait3A_192 = tpu.memref_slice %arg7[%dma_wait3A_191] : memref<10240xf32, #tpu.memory_space<vmem_shared>> -> memref<10240xf32, #tpu.memory_space<vmem_shared>>
        tpu.wait_indirect_dma semaphore(%arg14 : memref<!tpu.dma_semaphore, #tpu.memory_space<semaphore_mem>>) src(%arg6 : memref<80xf32, #tpu.memory_space<vmem>>) dst(%dma_wait3A_192 : memref<10240xf32, #tpu.memory_space<vmem_shared>>)
      } else {
      }
      %add3A_167 = arith.constant 6 : i32
      %add3A_168 = arith.addi %mul3A_93, %add3A_167 : i32
      %dma_start3A_169 = arith.constant 0 : i32
      %dma_start3A_170 = tpu.memref_slice %arg5[%add3A_168, %dma_start3A_169] : memref<125x80xi32, #tpu.memory_space<vmem>> -> memref<1x80xi32, #tpu.memory_space<vmem>>
      %dma_start3A_171 = tpu.memref_squeeze %dma_start3A_170 : memref<1x80xi32, #tpu.memory_space<vmem>> -> memref<80xi32, #tpu.memory_space<vmem>>
      %dma_start3A_172 = arith.constant 0 : i32
      %dma_start3A_173 = tpu.memref_slice %arg7[%dma_start3A_172] : memref<10240xf32, #tpu.memory_space<vmem_shared>> -> memref<10240xf32, #tpu.memory_space<vmem_shared>>
      tpu.enqueue_indirect_dma source(%arg6 : memref<80xf32, #tpu.memory_space<vmem>>) target(%dma_start3A_173 : memref<10240xf32, #tpu.memory_space<vmem_shared>>) offsets(%dma_start3A_171 : memref<80xi32, #tpu.memory_space<vmem>>) semaphore(%arg14 : memref<!tpu.dma_semaphore, #tpu.memory_space<semaphore_mem>>) {add = true}
      %gt3A_174 = arith.constant 0 : i32
      %gt3A_175 = arith.cmpi sgt, %scan3A_91, %gt3A_174 : i32
      %convert_element_type3A_176 = arith.extui %gt3A_175 : i1 to i32
      %cond3A_177 = arith.constant 0 : i32
      %cond3A_178 = arith.cmpi ne, %convert_element_type3A_176, %cond3A_177 : i32
      scf.if %cond3A_178 {
        %add3A_186 = arith.constant 7 : i32
        %add3A_187 = arith.addi %mul3A_93, %add3A_186 : i32
        %dma_wait3A_188 = arith.constant 0 : i32
        %dma_wait3A_189 = tpu.memref_slice %arg5[%add3A_187, %dma_wait3A_188] : memref<125x80xi32, #tpu.memory_space<vmem>> -> memref<1x80xi32, #tpu.memory_space<vmem>>
        %dma_wait3A_190 = tpu.memref_squeeze %dma_wait3A_189 : memref<1x80xi32, #tpu.memory_space<vmem>> -> memref<80xi32, #tpu.memory_space<vmem>>
        %dma_wait3A_191 = arith.constant 0 : i32
        %dma_wait3A_192 = tpu.memref_slice %arg7[%dma_wait3A_191] : memref<10240xf32, #tpu.memory_space<vmem_shared>> -> memref<10240xf32, #tpu.memory_space<vmem_shared>>
        tpu.wait_indirect_dma semaphore(%arg15 : memref<!tpu.dma_semaphore, #tpu.memory_space<semaphore_mem>>) src(%arg6 : memref<80xf32, #tpu.memory_space<vmem>>) dst(%dma_wait3A_192 : memref<10240xf32, #tpu.memory_space<vmem_shared>>)
      } else {
      }
      %add3A_179 = arith.constant 7 : i32
      %add3A_180 = arith.addi %mul3A_93, %add3A_179 : i32
      %dma_start3A_181 = arith.constant 0 : i32
      %dma_start3A_182 = tpu.memref_slice %arg5[%add3A_180, %dma_start3A_181] : memref<125x80xi32, #tpu.memory_space<vmem>> -> memref<1x80xi32, #tpu.memory_space<vmem>>
      %dma_start3A_183 = tpu.memref_squeeze %dma_start3A_182 : memref<1x80xi32, #tpu.memory_space<vmem>> -> memref<80xi32, #tpu.memory_space<vmem>>
      %dma_start3A_184 = arith.constant 0 : i32
      %dma_start3A_185 = tpu.memref_slice %arg7[%dma_start3A_184] : memref<10240xf32, #tpu.memory_space<vmem_shared>> -> memref<10240xf32, #tpu.memory_space<vmem_shared>>
      tpu.enqueue_indirect_dma source(%arg6 : memref<80xf32, #tpu.memory_space<vmem>>) target(%dma_start3A_185 : memref<10240xf32, #tpu.memory_space<vmem_shared>>) offsets(%dma_start3A_183 : memref<80xi32, #tpu.memory_space<vmem>>) semaphore(%arg15 : memref<!tpu.dma_semaphore, #tpu.memory_space<semaphore_mem>>) {add = true}
    }
    %scan3A_35 = arith.constant 15 : i32
    %dma_wait3A = arith.constant 0 : i32
    %dma_wait3A_36 = arith.constant 0 : i32
    %dma_wait3A_37 = tpu.memref_slice %arg5[%dma_wait3A, %dma_wait3A_36] : memref<125x80xi32, #tpu.memory_space<vmem>> -> memref<1x80xi32, #tpu.memory_space<vmem>>
    %dma_wait3A_38 = tpu.memref_squeeze %dma_wait3A_37 : memref<1x80xi32, #tpu.memory_space<vmem>> -> memref<80xi32, #tpu.memory_space<vmem>>
    %dma_wait3A_39 = arith.constant 0 : i32
    %dma_wait3A_40 = tpu.memref_slice %arg7[%dma_wait3A_39] : memref<10240xf32, #tpu.memory_space<vmem_shared>> -> memref<10240xf32, #tpu.memory_space<vmem_shared>>
    tpu.wait_indirect_dma semaphore(%arg8 : memref<!tpu.dma_semaphore, #tpu.memory_space<semaphore_mem>>) src(%arg6 : memref<80xf32, #tpu.memory_space<vmem>>) dst(%dma_wait3A_40 : memref<10240xf32, #tpu.memory_space<vmem_shared>>)
    %dma_wait3A_41 = arith.constant 1 : i32
    %dma_wait3A_42 = arith.constant 0 : i32
    %dma_wait3A_43 = tpu.memref_slice %arg5[%dma_wait3A_41, %dma_wait3A_42] : memref<125x80xi32, #tpu.memory_space<vmem>> -> memref<1x80xi32, #tpu.memory_space<vmem>>
    %dma_wait3A_44 = tpu.memref_squeeze %dma_wait3A_43 : memref<1x80xi32, #tpu.memory_space<vmem>> -> memref<80xi32, #tpu.memory_space<vmem>>
    %dma_wait3A_45 = arith.constant 0 : i32
    %dma_wait3A_46 = tpu.memref_slice %arg7[%dma_wait3A_45] : memref<10240xf32, #tpu.memory_space<vmem_shared>> -> memref<10240xf32, #tpu.memory_space<vmem_shared>>
    tpu.wait_indirect_dma semaphore(%arg9 : memref<!tpu.dma_semaphore, #tpu.memory_space<semaphore_mem>>) src(%arg6 : memref<80xf32, #tpu.memory_space<vmem>>) dst(%dma_wait3A_46 : memref<10240xf32, #tpu.memory_space<vmem_shared>>)
    %dma_wait3A_47 = arith.constant 2 : i32
    %dma_wait3A_48 = arith.constant 0 : i32
    %dma_wait3A_49 = tpu.memref_slice %arg5[%dma_wait3A_47, %dma_wait3A_48] : memref<125x80xi32, #tpu.memory_space<vmem>> -> memref<1x80xi32, #tpu.memory_space<vmem>>
    %dma_wait3A_50 = tpu.memref_squeeze %dma_wait3A_49 : memref<1x80xi32, #tpu.memory_space<vmem>> -> memref<80xi32, #tpu.memory_space<vmem>>
    %dma_wait3A_51 = arith.constant 0 : i32
    %dma_wait3A_52 = tpu.memref_slice %arg7[%dma_wait3A_51] : memref<10240xf32, #tpu.memory_space<vmem_shared>> -> memref<10240xf32, #tpu.memory_space<vmem_shared>>
    tpu.wait_indirect_dma semaphore(%arg10 : memref<!tpu.dma_semaphore, #tpu.memory_space<semaphore_mem>>) src(%arg6 : memref<80xf32, #tpu.memory_space<vmem>>) dst(%dma_wait3A_52 : memref<10240xf32, #tpu.memory_space<vmem_shared>>)
    %dma_wait3A_53 = arith.constant 3 : i32
    %dma_wait3A_54 = arith.constant 0 : i32
    %dma_wait3A_55 = tpu.memref_slice %arg5[%dma_wait3A_53, %dma_wait3A_54] : memref<125x80xi32, #tpu.memory_space<vmem>> -> memref<1x80xi32, #tpu.memory_space<vmem>>
    %dma_wait3A_56 = tpu.memref_squeeze %dma_wait3A_55 : memref<1x80xi32, #tpu.memory_space<vmem>> -> memref<80xi32, #tpu.memory_space<vmem>>
    %dma_wait3A_57 = arith.constant 0 : i32
    %dma_wait3A_58 = tpu.memref_slice %arg7[%dma_wait3A_57] : memref<10240xf32, #tpu.memory_space<vmem_shared>> -> memref<10240xf32, #tpu.memory_space<vmem_shared>>
    tpu.wait_indirect_dma semaphore(%arg11 : memref<!tpu.dma_semaphore, #tpu.memory_space<semaphore_mem>>) src(%arg6 : memref<80xf32, #tpu.memory_space<vmem>>) dst(%dma_wait3A_58 : memref<10240xf32, #tpu.memory_space<vmem_shared>>)
    %dma_wait3A_59 = arith.constant 4 : i32
    %dma_wait3A_60 = arith.constant 0 : i32
    %dma_wait3A_61 = tpu.memref_slice %arg5[%dma_wait3A_59, %dma_wait3A_60] : memref<125x80xi32, #tpu.memory_space<vmem>> -> memref<1x80xi32, #tpu.memory_space<vmem>>
    %dma_wait3A_62 = tpu.memref_squeeze %dma_wait3A_61 : memref<1x80xi32, #tpu.memory_space<vmem>> -> memref<80xi32, #tpu.memory_space<vmem>>
    %dma_wait3A_63 = arith.constant 0 : i32
    %dma_wait3A_64 = tpu.memref_slice %arg7[%dma_wait3A_63] : memref<10240xf32, #tpu.memory_space<vmem_shared>> -> memref<10240xf32, #tpu.memory_space<vmem_shared>>
    tpu.wait_indirect_dma semaphore(%arg12 : memref<!tpu.dma_semaphore, #tpu.memory_space<semaphore_mem>>) src(%arg6 : memref<80xf32, #tpu.memory_space<vmem>>) dst(%dma_wait3A_64 : memref<10240xf32, #tpu.memory_space<vmem_shared>>)
    %dma_wait3A_65 = arith.constant 5 : i32
    %dma_wait3A_66 = arith.constant 0 : i32
    %dma_wait3A_67 = tpu.memref_slice %arg5[%dma_wait3A_65, %dma_wait3A_66] : memref<125x80xi32, #tpu.memory_space<vmem>> -> memref<1x80xi32, #tpu.memory_space<vmem>>
    %dma_wait3A_68 = tpu.memref_squeeze %dma_wait3A_67 : memref<1x80xi32, #tpu.memory_space<vmem>> -> memref<80xi32, #tpu.memory_space<vmem>>
    %dma_wait3A_69 = arith.constant 0 : i32
    %dma_wait3A_70 = tpu.memref_slice %arg7[%dma_wait3A_69] : memref<10240xf32, #tpu.memory_space<vmem_shared>> -> memref<10240xf32, #tpu.memory_space<vmem_shared>>
    tpu.wait_indirect_dma semaphore(%arg13 : memref<!tpu.dma_semaphore, #tpu.memory_space<semaphore_mem>>) src(%arg6 : memref<80xf32, #tpu.memory_space<vmem>>) dst(%dma_wait3A_70 : memref<10240xf32, #tpu.memory_space<vmem_shared>>)
    %dma_wait3A_71 = arith.constant 6 : i32
    %dma_wait3A_72 = arith.constant 0 : i32
    %dma_wait3A_73 = tpu.memref_slice %arg5[%dma_wait3A_71, %dma_wait3A_72] : memref<125x80xi32, #tpu.memory_space<vmem>> -> memref<1x80xi32, #tpu.memory_space<vmem>>
    %dma_wait3A_74 = tpu.memref_squeeze %dma_wait3A_73 : memref<1x80xi32, #tpu.memory_space<vmem>> -> memref<80xi32, #tpu.memory_space<vmem>>
    %dma_wait3A_75 = arith.constant 0 : i32
    %dma_wait3A_76 = tpu.memref_slice %arg7[%dma_wait3A_75] : memref<10240xf32, #tpu.memory_space<vmem_shared>> -> memref<10240xf32, #tpu.memory_space<vmem_shared>>
    tpu.wait_indirect_dma semaphore(%arg14 : memref<!tpu.dma_semaphore, #tpu.memory_space<semaphore_mem>>) src(%arg6 : memref<80xf32, #tpu.memory_space<vmem>>) dst(%dma_wait3A_76 : memref<10240xf32, #tpu.memory_space<vmem_shared>>)
    %dma_wait3A_77 = arith.constant 7 : i32
    %dma_wait3A_78 = arith.constant 0 : i32
    %dma_wait3A_79 = tpu.memref_slice %arg5[%dma_wait3A_77, %dma_wait3A_78] : memref<125x80xi32, #tpu.memory_space<vmem>> -> memref<1x80xi32, #tpu.memory_space<vmem>>
    %dma_wait3A_80 = tpu.memref_squeeze %dma_wait3A_79 : memref<1x80xi32, #tpu.memory_space<vmem>> -> memref<80xi32, #tpu.memory_space<vmem>>
    %dma_wait3A_81 = arith.constant 0 : i32
    %dma_wait3A_82 = tpu.memref_slice %arg7[%dma_wait3A_81] : memref<10240xf32, #tpu.memory_space<vmem_shared>> -> memref<10240xf32, #tpu.memory_space<vmem_shared>>
    tpu.wait_indirect_dma semaphore(%arg15 : memref<!tpu.dma_semaphore, #tpu.memory_space<semaphore_mem>>) src(%arg6 : memref<80xf32, #tpu.memory_space<vmem>>) dst(%dma_wait3A_82 : memref<10240xf32, #tpu.memory_space<vmem_shared>>)
    %run_scoped3A = arith.constant 120 : i32
    "tpu.region"() ({
      %run_scoped3A_91 = tpu.sem_alloc : memref<!tpu.dma_semaphore, #tpu.memory_space<semaphore_mem>>
      %dma_start3A = arith.constant 0 : i32
      %dma_start3A_92 = tpu.memref_slice %arg5[%run_scoped3A, %dma_start3A] : memref<125x80xi32, #tpu.memory_space<vmem>> -> memref<1x80xi32, #tpu.memory_space<vmem>>
      %dma_start3A_93 = tpu.memref_squeeze %dma_start3A_92 : memref<1x80xi32, #tpu.memory_space<vmem>> -> memref<80xi32, #tpu.memory_space<vmem>>
      %dma_start3A_94 = arith.constant 0 : i32
      %dma_start3A_95 = tpu.memref_slice %arg7[%dma_start3A_94] : memref<10240xf32, #tpu.memory_space<vmem_shared>> -> memref<10240xf32, #tpu.memory_space<vmem_shared>>
      tpu.enqueue_indirect_dma source(%arg6 : memref<80xf32, #tpu.memory_space<vmem>>) target(%dma_start3A_95 : memref<10240xf32, #tpu.memory_space<vmem_shared>>) offsets(%dma_start3A_93 : memref<80xi32, #tpu.memory_space<vmem>>) semaphore(%run_scoped3A_91 : memref<!tpu.dma_semaphore, #tpu.memory_space<semaphore_mem>>) {add = true}
      %dma_wait3A_96 = arith.constant 0 : i32
      %dma_wait3A_97 = tpu.memref_slice %arg5[%run_scoped3A, %dma_wait3A_96] : memref<125x80xi32, #tpu.memory_space<vmem>> -> memref<1x80xi32, #tpu.memory_space<vmem>>
      %dma_wait3A_98 = tpu.memref_squeeze %dma_wait3A_97 : memref<1x80xi32, #tpu.memory_space<vmem>> -> memref<80xi32, #tpu.memory_space<vmem>>
      %dma_wait3A_99 = arith.constant 0 : i32
      %dma_wait3A_100 = tpu.memref_slice %arg7[%dma_wait3A_99] : memref<10240xf32, #tpu.memory_space<vmem_shared>> -> memref<10240xf32, #tpu.memory_space<vmem_shared>>
      tpu.wait_indirect_dma semaphore(%run_scoped3A_91 : memref<!tpu.dma_semaphore, #tpu.memory_space<semaphore_mem>>) src(%arg6 : memref<80xf32, #tpu.memory_space<vmem>>) dst(%dma_wait3A_100 : memref<10240xf32, #tpu.memory_space<vmem_shared>>)
      tpu.yield
    }) : () -> ()
    %run_scoped3A_83 = arith.constant 121 : i32
    "tpu.region"() ({
      %run_scoped3A_91 = tpu.sem_alloc : memref<!tpu.dma_semaphore, #tpu.memory_space<semaphore_mem>>
      %dma_start3A = arith.constant 0 : i32
      %dma_start3A_92 = tpu.memref_slice %arg5[%run_scoped3A_83, %dma_start3A] : memref<125x80xi32, #tpu.memory_space<vmem>> -> memref<1x80xi32, #tpu.memory_space<vmem>>
      %dma_start3A_93 = tpu.memref_squeeze %dma_start3A_92 : memref<1x80xi32, #tpu.memory_space<vmem>> -> memref<80xi32, #tpu.memory_space<vmem>>
      %dma_start3A_94 = arith.constant 0 : i32
      %dma_start3A_95 = tpu.memref_slice %arg7[%dma_start3A_94] : memref<10240xf32, #tpu.memory_space<vmem_shared>> -> memref<10240xf32, #tpu.memory_space<vmem_shared>>
      tpu.enqueue_indirect_dma source(%arg6 : memref<80xf32, #tpu.memory_space<vmem>>) target(%dma_start3A_95 : memref<10240xf32, #tpu.memory_space<vmem_shared>>) offsets(%dma_start3A_93 : memref<80xi32, #tpu.memory_space<vmem>>) semaphore(%run_scoped3A_91 : memref<!tpu.dma_semaphore, #tpu.memory_space<semaphore_mem>>) {add = true}
      %dma_wait3A_96 = arith.constant 0 : i32
      %dma_wait3A_97 = tpu.memref_slice %arg5[%run_scoped3A_83, %dma_wait3A_96] : memref<125x80xi32, #tpu.memory_space<vmem>> -> memref<1x80xi32, #tpu.memory_space<vmem>>
      %dma_wait3A_98 = tpu.memref_squeeze %dma_wait3A_97 : memref<1x80xi32, #tpu.memory_space<vmem>> -> memref<80xi32, #tpu.memory_space<vmem>>
      %dma_wait3A_99 = arith.constant 0 : i32
      %dma_wait3A_100 = tpu.memref_slice %arg7[%dma_wait3A_99] : memref<10240xf32, #tpu.memory_space<vmem_shared>> -> memref<10240xf32, #tpu.memory_space<vmem_shared>>
      tpu.wait_indirect_dma semaphore(%run_scoped3A_91 : memref<!tpu.dma_semaphore, #tpu.memory_space<semaphore_mem>>) src(%arg6 : memref<80xf32, #tpu.memory_space<vmem>>) dst(%dma_wait3A_100 : memref<10240xf32, #tpu.memory_space<vmem_shared>>)
      tpu.yield
    }) : () -> ()
    %run_scoped3A_84 = arith.constant 122 : i32
    "tpu.region"() ({
      %run_scoped3A_91 = tpu.sem_alloc : memref<!tpu.dma_semaphore, #tpu.memory_space<semaphore_mem>>
      %dma_start3A = arith.constant 0 : i32
      %dma_start3A_92 = tpu.memref_slice %arg5[%run_scoped3A_84, %dma_start3A] : memref<125x80xi32, #tpu.memory_space<vmem>> -> memref<1x80xi32, #tpu.memory_space<vmem>>
      %dma_start3A_93 = tpu.memref_squeeze %dma_start3A_92 : memref<1x80xi32, #tpu.memory_space<vmem>> -> memref<80xi32, #tpu.memory_space<vmem>>
      %dma_start3A_94 = arith.constant 0 : i32
      %dma_start3A_95 = tpu.memref_slice %arg7[%dma_start3A_94] : memref<10240xf32, #tpu.memory_space<vmem_shared>> -> memref<10240xf32, #tpu.memory_space<vmem_shared>>
      tpu.enqueue_indirect_dma source(%arg6 : memref<80xf32, #tpu.memory_space<vmem>>) target(%dma_start3A_95 : memref<10240xf32, #tpu.memory_space<vmem_shared>>) offsets(%dma_start3A_93 : memref<80xi32, #tpu.memory_space<vmem>>) semaphore(%run_scoped3A_91 : memref<!tpu.dma_semaphore, #tpu.memory_space<semaphore_mem>>) {add = true}
      %dma_wait3A_96 = arith.constant 0 : i32
      %dma_wait3A_97 = tpu.memref_slice %arg5[%run_scoped3A_84, %dma_wait3A_96] : memref<125x80xi32, #tpu.memory_space<vmem>> -> memref<1x80xi32, #tpu.memory_space<vmem>>
      %dma_wait3A_98 = tpu.memref_squeeze %dma_wait3A_97 : memref<1x80xi32, #tpu.memory_space<vmem>> -> memref<80xi32, #tpu.memory_space<vmem>>
      %dma_wait3A_99 = arith.constant 0 : i32
      %dma_wait3A_100 = tpu.memref_slice %arg7[%dma_wait3A_99] : memref<10240xf32, #tpu.memory_space<vmem_shared>> -> memref<10240xf32, #tpu.memory_space<vmem_shared>>
      tpu.wait_indirect_dma semaphore(%run_scoped3A_91 : memref<!tpu.dma_semaphore, #tpu.memory_space<semaphore_mem>>) src(%arg6 : memref<80xf32, #tpu.memory_space<vmem>>) dst(%dma_wait3A_100 : memref<10240xf32, #tpu.memory_space<vmem_shared>>)
      tpu.yield
    }) : () -> ()
    %run_scoped3A_85 = arith.constant 123 : i32
    "tpu.region"() ({
      %run_scoped3A_91 = tpu.sem_alloc : memref<!tpu.dma_semaphore, #tpu.memory_space<semaphore_mem>>
      %dma_start3A = arith.constant 0 : i32
      %dma_start3A_92 = tpu.memref_slice %arg5[%run_scoped3A_85, %dma_start3A] : memref<125x80xi32, #tpu.memory_space<vmem>> -> memref<1x80xi32, #tpu.memory_space<vmem>>
      %dma_start3A_93 = tpu.memref_squeeze %dma_start3A_92 : memref<1x80xi32, #tpu.memory_space<vmem>> -> memref<80xi32, #tpu.memory_space<vmem>>
      %dma_start3A_94 = arith.constant 0 : i32
      %dma_start3A_95 = tpu.memref_slice %arg7[%dma_start3A_94] : memref<10240xf32, #tpu.memory_space<vmem_shared>> -> memref<10240xf32, #tpu.memory_space<vmem_shared>>
      tpu.enqueue_indirect_dma source(%arg6 : memref<80xf32, #tpu.memory_space<vmem>>) target(%dma_start3A_95 : memref<10240xf32, #tpu.memory_space<vmem_shared>>) offsets(%dma_start3A_93 : memref<80xi32, #tpu.memory_space<vmem>>) semaphore(%run_scoped3A_91 : memref<!tpu.dma_semaphore, #tpu.memory_space<semaphore_mem>>) {add = true}
      %dma_wait3A_96 = arith.constant 0 : i32
      %dma_wait3A_97 = tpu.memref_slice %arg5[%run_scoped3A_85, %dma_wait3A_96] : memref<125x80xi32, #tpu.memory_space<vmem>> -> memref<1x80xi32, #tpu.memory_space<vmem>>
      %dma_wait3A_98 = tpu.memref_squeeze %dma_wait3A_97 : memref<1x80xi32, #tpu.memory_space<vmem>> -> memref<80xi32, #tpu.memory_space<vmem>>
      %dma_wait3A_99 = arith.constant 0 : i32
      %dma_wait3A_100 = tpu.memref_slice %arg7[%dma_wait3A_99] : memref<10240xf32, #tpu.memory_space<vmem_shared>> -> memref<10240xf32, #tpu.memory_space<vmem_shared>>
      tpu.wait_indirect_dma semaphore(%run_scoped3A_91 : memref<!tpu.dma_semaphore, #tpu.memory_space<semaphore_mem>>) src(%arg6 : memref<80xf32, #tpu.memory_space<vmem>>) dst(%dma_wait3A_100 : memref<10240xf32, #tpu.memory_space<vmem_shared>>)
      tpu.yield
    }) : () -> ()
    %run_scoped3A_86 = arith.constant 124 : i32
    "tpu.region"() ({
      %run_scoped3A_91 = tpu.sem_alloc : memref<!tpu.dma_semaphore, #tpu.memory_space<semaphore_mem>>
      %dma_start3A = arith.constant 0 : i32
      %dma_start3A_92 = tpu.memref_slice %arg5[%run_scoped3A_86, %dma_start3A] : memref<125x80xi32, #tpu.memory_space<vmem>> -> memref<1x80xi32, #tpu.memory_space<vmem>>
      %dma_start3A_93 = tpu.memref_squeeze %dma_start3A_92 : memref<1x80xi32, #tpu.memory_space<vmem>> -> memref<80xi32, #tpu.memory_space<vmem>>
      %dma_start3A_94 = arith.constant 0 : i32
      %dma_start3A_95 = tpu.memref_slice %arg7[%dma_start3A_94] : memref<10240xf32, #tpu.memory_space<vmem_shared>> -> memref<10240xf32, #tpu.memory_space<vmem_shared>>
      tpu.enqueue_indirect_dma source(%arg6 : memref<80xf32, #tpu.memory_space<vmem>>) target(%dma_start3A_95 : memref<10240xf32, #tpu.memory_space<vmem_shared>>) offsets(%dma_start3A_93 : memref<80xi32, #tpu.memory_space<vmem>>) semaphore(%run_scoped3A_91 : memref<!tpu.dma_semaphore, #tpu.memory_space<semaphore_mem>>) {add = true}
      %dma_wait3A_96 = arith.constant 0 : i32
      %dma_wait3A_97 = tpu.memref_slice %arg5[%run_scoped3A_86, %dma_wait3A_96] : memref<125x80xi32, #tpu.memory_space<vmem>> -> memref<1x80xi32, #tpu.memory_space<vmem>>
      %dma_wait3A_98 = tpu.memref_squeeze %dma_wait3A_97 : memref<1x80xi32, #tpu.memory_space<vmem>> -> memref<80xi32, #tpu.memory_space<vmem>>
      %dma_wait3A_99 = arith.constant 0 : i32
      %dma_wait3A_100 = tpu.memref_slice %arg7[%dma_wait3A_99] : memref<10240xf32, #tpu.memory_space<vmem_shared>> -> memref<10240xf32, #tpu.memory_space<vmem_shared>>
      tpu.wait_indirect_dma semaphore(%run_scoped3A_91 : memref<!tpu.dma_semaphore, #tpu.memory_space<semaphore_mem>>) src(%arg6 : memref<80xf32, #tpu.memory_space<vmem>>) dst(%dma_wait3A_100 : memref<10240xf32, #tpu.memory_space<vmem_shared>>)
      tpu.yield
    }) : () -> ()
    %barrier3A_87 = arith.constant 0 : index
    tpu.barrier barrier_id(%barrier3A_87)
    %mul3A_88 = arith.constant 10240 : i32
    %mul3A_89 = arith.muli %arg0, %mul3A_88 : i32
    %add3A_90 = arith.addi %mul3A_89, %mul3A_30 : i32
    "tpu.region"() ({
      %run_scoped3A_91 = tpu.sem_alloc : memref<!tpu.dma_semaphore, #tpu.memory_space<semaphore_mem>>
      %dma_start3A = tpu.memref_slice %arg4[%add3A_90] : memref<20480xf32, #tpu.memory_space<hbm>> -> memref<640xf32, #tpu.memory_space<hbm>>
      %dma_start3A_92 = tpu.memref_slice %arg7[%mul3A_30] : memref<10240xf32, #tpu.memory_space<vmem_shared>> -> memref<640xf32, #tpu.memory_space<vmem_shared>>
      tpu.enqueue_dma source(%dma_start3A_92 : memref<640xf32, #tpu.memory_space<vmem_shared>>) target(%dma_start3A : memref<640xf32, #tpu.memory_space<hbm>>) target_semaphore(%run_scoped3A_91 : memref<!tpu.dma_semaphore, #tpu.memory_space<semaphore_mem>>)
      %dma_wait3A_93 = tpu.memref_slice %arg4[%add3A_90] : memref<20480xf32, #tpu.memory_space<hbm>> -> memref<640xf32, #tpu.memory_space<hbm>>
      %dma_wait3A_94 = tpu.memref_slice %arg7[%mul3A_30] : memref<10240xf32, #tpu.memory_space<vmem_shared>> -> memref<640xf32, #tpu.memory_space<vmem_shared>>
      tpu.wait_dma2 semaphore(%run_scoped3A_91 : memref<!tpu.dma_semaphore, #tpu.memory_space<semaphore_mem>>) src(%dma_wait3A_94 : memref<640xf32, #tpu.memory_space<vmem_shared>>) dst(%dma_wait3A_93 : memref<640xf32, #tpu.memory_space<hbm>>)
      tpu.yield
    }) : () -> ()
    return
  }
}

module attributes {stable_mosaic.version = 14 : i64} {
  func.func @body(%arg0: i32, %arg1: memref<2000x128xf32, #tpu.memory_space<vmem>>, %arg2: memref<128x128xf32, #tpu.memory_space<vmem>>, %arg3: memref<2000x128xf32, #tpu.memory_space<vmem>>) attributes {dimension_semantics = [#tpu.dimension_semantics<arbitrary>], iteration_bounds = array<i64: 5>, scalar_prefetch = 0 : i64, scratch_operands = 0 : i64, tpu.core_type = #tpu.core_type<tc>, window_params = [{transform_indices = @transform_0, window_bounds = array<i64: 2000, 128>}, {pipeline_mode = #tpu.pipeline_mode<synchronous>, transform_indices = @transform_1, window_bounds = array<i64: 128, 128>}, {transform_indices = @transform_2, window_bounds = array<i64: 2000, 128>}]} {
    %get3A = arith.constant 0 : index
    %get3A_0 = arith.constant 0 : index
    %get3A_1 = vector.load %arg1[%get3A, %get3A_0] : memref<2000x128xf32, #tpu.memory_space<vmem>>, vector<2000x128xf32>
    %get3A_2 = arith.constant 0 : index
    %get3A_3 = arith.constant 0 : index
    %get3A_4 = vector.load %arg2[%get3A_2, %get3A_3] : memref<128x128xf32, #tpu.memory_space<vmem>>, vector<128x128xf32>
    %dot_general3A = arith.constant dense<0.000000e+00> : vector<2000x128xf32>
    %dot_general3A_5 = tpu.matmul %get3A_1, %get3A_4, %dot_general3A {dimension_numbers = #tpu.dot_dimension_numbers<[1], [0], [0], [1], [0, 0, 1, 1], [], []>, transpose_lhs_hint = false} : vector<2000x128xf32>, vector<128x128xf32>, vector<2000x128xf32> -> vector<2000x128xf32>
    %swap3A = arith.constant 0 : index
    %swap3A_6 = arith.constant 0 : index
    %swap3A_7 = vector.load %arg3[%swap3A, %swap3A_6] : memref<2000x128xf32, #tpu.memory_space<vmem>>, vector<2000x128xf32>
    tpu.vector_store %arg3[%swap3A, %swap3A_6], %dot_general3A_5 {strides = array<i32>} : memref<2000x128xf32, #tpu.memory_space<vmem>>, vector<2000x128xf32>,
    return
  }
  func.func @transform_0(%arg0: i32) -> (i32, i32) {
    %c0_i32 = arith.constant 0 : i32
    %c0_i32_0 = arith.constant 0 : i32
    return %arg0, %c0_i32 : i32, i32
  }
  func.func @transform_1(%arg0: i32) -> (i32, i32) {
    %c0_i32 = arith.constant 0 : i32
    %c0_i32_0 = arith.constant 0 : i32
    %c0_i32_1 = arith.constant 0 : i32
    return %c0_i32, %c0_i32_0 : i32, i32
  }
  func.func @transform_2(%arg0: i32) -> (i32, i32) {
    %c0_i32 = arith.constant 0 : i32
    %c0_i32_0 = arith.constant 0 : i32
    return %arg0, %c0_i32 : i32, i32
  }
}

module attributes {stable_mosaic.version = 14 : i64} {
  func.func @body(%arg0: i32, %arg1: memref<2000x2xf32, #tpu.memory_space<vmem>>, %arg2: memref<2000x128xf32, #tpu.memory_space<vmem>>, %arg3: memref<2000x128xf32, #tpu.memory_space<vmem>>, %arg4: memref<2000x1xf32, #tpu.memory_space<vmem>>) attributes {dimension_semantics = [#tpu.dimension_semantics<arbitrary>], iteration_bounds = array<i64: 5>, scalar_prefetch = 0 : i64, scratch_operands = 0 : i64, tpu.core_type = #tpu.core_type<tc>, window_params = [{transform_indices = @transform_0, window_bounds = array<i64: 2000, 2>}, {transform_indices = @transform_1, window_bounds = array<i64: 2000, 128>}, {transform_indices = @transform_2, window_bounds = array<i64: 2000, 128>}, {transform_indices = @transform_3, window_bounds = array<i64: 2000, 1>}]} {
    %get3A = arith.constant 0 : index
    %get3A_0 = arith.constant 0 : index
    %get3A_1 = vector.load %arg1[%get3A, %get3A_0] : memref<2000x2xf32, #tpu.memory_space<vmem>>, vector<2000x1xf32>
    %get3A_2 = arith.constant 0 : index
    %get3A_3 = arith.constant 1 : index
    %get3A_4 = vector.load %arg1[%get3A_2, %get3A_3] : memref<2000x2xf32, #tpu.memory_space<vmem>>, vector<2000x1xf32>
    %add3A = arith.addf %get3A_1, %get3A_4 : vector<2000x1xf32>
    %add3A_5 = arith.constant 1.000000e+00 : f32
    %add3A_6 = vector.broadcast %add3A_5 : f32 to vector<2000x1xf32>
    %add3A_7 = arith.addf %add3A, %add3A_6 : vector<2000x1xf32>
    %rsqrt3A = math.rsqrt %add3A_7 : vector<2000x1xf32>
    %get3A_8 = arith.constant 0 : index
    %get3A_9 = arith.constant 0 : index
    %get3A_10 = vector.load %arg2[%get3A_8, %get3A_9] : memref<2000x128xf32, #tpu.memory_space<vmem>>, vector<2000x128xf32>
    %mul3A = vector.broadcast %rsqrt3A : vector<2000x1xf32> to vector<2000x128xf32>
    %mul3A_11 = arith.mulf %get3A_10, %mul3A : vector<2000x128xf32>
    %swap3A = arith.constant 0 : index
    %swap3A_12 = arith.constant 0 : index
    %swap3A_13 = vector.load %arg3[%swap3A, %swap3A_12] : memref<2000x128xf32, #tpu.memory_space<vmem>>, vector<2000x128xf32>
    tpu.vector_store %arg3[%swap3A, %swap3A_12], %mul3A_11 {strides = array<i32>} : memref<2000x128xf32, #tpu.memory_space<vmem>>, vector<2000x128xf32>,
    %swap3A_14 = arith.constant 0 : index
    %swap3A_15 = arith.constant 0 : index
    %swap3A_16 = vector.load %arg4[%swap3A_14, %swap3A_15] : memref<2000x1xf32, #tpu.memory_space<vmem>>, vector<2000x1xf32>
    tpu.vector_store %arg4[%swap3A_14, %swap3A_15], %rsqrt3A {strides = array<i32>} : memref<2000x1xf32, #tpu.memory_space<vmem>>, vector<2000x1xf32>,
    return
  }
  func.func @transform_0(%arg0: i32) -> (i32, i32) {
    %c0_i32 = arith.constant 0 : i32
    %c0_i32_0 = arith.constant 0 : i32
    return %arg0, %c0_i32 : i32, i32
  }
  func.func @transform_1(%arg0: i32) -> (i32, i32) {
    %c0_i32 = arith.constant 0 : i32
    %c0_i32_0 = arith.constant 0 : i32
    return %arg0, %c0_i32 : i32, i32
  }
  func.func @transform_2(%arg0: i32) -> (i32, i32) {
    %c0_i32 = arith.constant 0 : i32
    %c0_i32_0 = arith.constant 0 : i32
    return %arg0, %c0_i32 : i32, i32
  }
  func.func @transform_3(%arg0: i32) -> (i32, i32) {
    %c0_i32 = arith.constant 0 : i32
    %c0_i32_0 = arith.constant 0 : i32
    return %arg0, %c0_i32 : i32, i32
  }
}

module attributes {stable_mosaic.version = 14 : i64} {
  func.func @body(%arg0: i32, %arg1: memref<2000x128xf32, #tpu.memory_space<vmem>>, %arg2: memref<2000x128xf32, #tpu.memory_space<vmem>>, %arg3: memref<2000x128xf32, #tpu.memory_space<vmem>>, %arg4: memref<2000x1xf32, #tpu.memory_space<vmem>>, %arg5: memref<1x128xf32, #tpu.memory_space<vmem>>, %arg6: memref<2000x128xf32, #tpu.memory_space<vmem>>) attributes {dimension_semantics = [#tpu.dimension_semantics<arbitrary>], iteration_bounds = array<i64: 5>, scalar_prefetch = 0 : i64, scratch_operands = 0 : i64, tpu.core_type = #tpu.core_type<tc>, window_params = [{transform_indices = @transform_0, window_bounds = array<i64: 2000, 128>}, {transform_indices = @transform_1, window_bounds = array<i64: 2000, 128>}, {transform_indices = @transform_2, window_bounds = array<i64: 2000, 128>}, {transform_indices = @transform_3, window_bounds = array<i64: 2000, 1>}, {pipeline_mode = #tpu.pipeline_mode<synchronous>, transform_indices = @transform_4, window_bounds = array<i64: 1, 128>}, {transform_indices = @transform_5, window_bounds = array<i64: 2000, 128>}]} {
    %get3A = arith.constant 0 : index
    %get3A_0 = arith.constant 0 : index
    %get3A_1 = vector.load %arg1[%get3A, %get3A_0] : memref<2000x128xf32, #tpu.memory_space<vmem>>, vector<2000x128xf32>
    %get3A_2 = arith.constant 0 : index
    %get3A_3 = arith.constant 0 : index
    %get3A_4 = vector.load %arg2[%get3A_2, %get3A_3] : memref<2000x128xf32, #tpu.memory_space<vmem>>, vector<2000x128xf32>
    %add3A = arith.addf %get3A_1, %get3A_4 : vector<2000x128xf32>
    %get3A_5 = arith.constant 0 : index
    %get3A_6 = arith.constant 0 : index
    %get3A_7 = vector.load %arg3[%get3A_5, %get3A_6] : memref<2000x128xf32, #tpu.memory_space<vmem>>, vector<2000x128xf32>
    %add3A_8 = arith.addf %add3A, %get3A_7 : vector<2000x128xf32>
    %get3A_9 = arith.constant 0 : index
    %get3A_10 = arith.constant 0 : index
    %get3A_11 = vector.load %arg4[%get3A_9, %get3A_10] : memref<2000x1xf32, #tpu.memory_space<vmem>>, vector<2000x1xf32>
    %mul3A = vector.broadcast %get3A_11 : vector<2000x1xf32> to vector<2000x128xf32>
    %mul3A_12 = arith.mulf %add3A_8, %mul3A : vector<2000x128xf32>
    %get3A_13 = arith.constant 0 : index
    %get3A_14 = arith.constant 0 : index
    %get3A_15 = vector.load %arg5[%get3A_13, %get3A_14] : memref<1x128xf32, #tpu.memory_space<vmem>>, vector<1x128xf32>
    %add3A_16 = vector.broadcast %get3A_15 : vector<1x128xf32> to vector<2000x128xf32>
    %add3A_17 = arith.addf %mul3A_12, %add3A_16 : vector<2000x128xf32>
    %swap3A = arith.constant 0 : index
    %swap3A_18 = arith.constant 0 : index
    %swap3A_19 = vector.load %arg6[%swap3A, %swap3A_18] : memref<2000x128xf32, #tpu.memory_space<vmem>>, vector<2000x128xf32>
    tpu.vector_store %arg6[%swap3A, %swap3A_18], %add3A_17 {strides = array<i32>} : memref<2000x128xf32, #tpu.memory_space<vmem>>, vector<2000x128xf32>,
    return
  }
  func.func @transform_0(%arg0: i32) -> (i32, i32) {
    %c0_i32 = arith.constant 0 : i32
    %c0_i32_0 = arith.constant 0 : i32
    return %arg0, %c0_i32 : i32, i32
  }
  func.func @transform_1(%arg0: i32) -> (i32, i32) {
    %c0_i32 = arith.constant 0 : i32
    %c0_i32_0 = arith.constant 0 : i32
    return %arg0, %c0_i32 : i32, i32
  }
  func.func @transform_2(%arg0: i32) -> (i32, i32) {
    %c0_i32 = arith.constant 0 : i32
    %c0_i32_0 = arith.constant 0 : i32
    return %arg0, %c0_i32 : i32, i32
  }
  func.func @transform_3(%arg0: i32) -> (i32, i32) {
    %c0_i32 = arith.constant 0 : i32
    %c0_i32_0 = arith.constant 0 : i32
    return %arg0, %c0_i32 : i32, i32
  }
  func.func @transform_4(%arg0: i32) -> (i32, i32) {
    %c0_i32 = arith.constant 0 : i32
    %c0_i32_0 = arith.constant 0 : i32
    %c0_i32_1 = arith.constant 0 : i32
    return %c0_i32, %c0_i32_0 : i32, i32
  }
  func.func @transform_5(%arg0: i32) -> (i32, i32) {
    %c0_i32 = arith.constant 0 : i32
    %c0_i32_0 = arith.constant 0 : i32
    return %arg0, %c0_i32 : i32, i32
  }
}

</mosaic_0001>

<sc_bundles>
// kernel: kernel.10.cloned.1.call-start
scs
__scs_entry_jumppad:
0x0: {  	(pc) =	sbr.rel $0x88, $3  }
0x1: {  	(tag) =	ssettag $0x0;
	lr =	simm.s32 $0x1  }
0x2: {  	[smem:$0x3F9D] =	sst lr;
	_ =	strace $0xD0000000  }
0x3: {  	_ = 	snop  }
0x4: {  	_ = 	snop  }
0x5: {  	_ = 	snop  }
0x6: {  	_ = 	snop  }
0x7: {  	_ = 	snop  }
__scs_overlays_trampoline_lowered:
0x8: {  	[smem:$0x3FAC] =	sst s0  }
0x9: {  	[smem:$0x3FAD] =	sst s1  }
0xa: {  	[smem:$0x3FAE] =	sst s2  }
0xb: {  	[smem:$0x3FAF] =	sst s3  }
0xc: {  	[smem:$0x3FB0] =	sst s4  }
0xd: {  	[smem:$0x3FB1] =	sst s5  }
0xe: {  	[smem:$0x3FB2] =	sst s6  }
0xf: {  	[smem:$0x3FB3] =	sst s7  }
0x10: {  	[smem:$0x3FB4] =	sst s8  }
0x11: {  	[smem:$0x3FB5] =	sst s9;
	s0 =	simm.s32 @!p0 $0x0  }
0x12: {  	s1 =	sld [smem:$0x3F9B];
	s0 =	simm.s32 @p0 $0x1  }
0x13: {  	[smem:$0x3FB6] =	sst s0;
	s0 =	simm.s32 @!p1 $0x0  }
0x14: {  	s2 =	sld [smem:$0x3F9A];
	s0 =	simm.s32 @p1 $0x1  }
0x15: {  	[smem:$0x3FB7] =	sst s0;
	s0 =	simm.s32 @!p2 $0x0  }
0x16: {  	s3 =	sld [smem:$0x3FDB];
	s0 =	simm.s32 @p2 $0x1  }
0x17: {  	s4 =	simm.s32 $0x1BF5;
	[smem:$0x3FB9] =	sst s0  }
0x18: {  	s0 =	sld [smem:$0x3F9C];
	_ =	swait.ge [sflag:s4], $0x0  }
0x19: {  	s7 =	sld [smem:$0x3F9D]  }
0x1a: {  	s8 =	sadd.s32 $0xFFFFE003, lr  }
0x1b: {  	s9 =	sadd.s32 $0xFFFFFEF7, lr;
	s5 =	simm.s32 $0xFFFFFFFF;
	p2 =	slt.u32 s8, $0xFFFFF086  }
0x1c: {  	p1 =	slt.u32 s9, $0xF7A;
	s5 =	simm.s32 @!p2 $0x0  }
0x1d: {  	s5 =	simm.s32 @p1 $0x1;
	p0 =	seq.s32 s7, s2  }
0x1e: {  	s7 =	smul.u32 @!p0 $0xF7A, s2;
	p2 =	seq.s32 @!p0 s5, $0x0  }
0x1f: {  	s9 =	smul.u32 $0xF7A, s1;
	s8 =	simm.s32 @!p0 $0x1BF5;
	p2 =	por !p2, p0  }
0x20: {  	[sflag:s8] =	ssyncset.s32 @!p0 $0xFFFFF086;
	s6 =	sadd.s32 @!p0 s3, s7;
	s7 =	simm.s32 @!p0 $0x108  }
0x21: {  	s3 =	sadd.s32 s3, s9;
	s6 =	sadd.s32 @!p0 $0x88, s6;
	s7 =	simm.s32 @p2 $0x1082  }
0x22: {  	[simem:s7], [sflag:s8] =	dma.local @!p0 [hbm:s6], $0xF7A  }
0x23: {  	s9 =	sor.u32 $0xD0000000, s2;
	s6 =	simm.s32 $0x108;
	_ =	swait.ge @!p0 [sflag:s8], $0x0  }
0x24: {  	s3 =	sadd.s32 $0x88, s3;
	s6 =	simm.s32 @!p1 $0x1082;
	[sflag:s4] =	ssyncset.s32 $0xFFFFF086  }
0x25: {  	[simem:s6], [sflag:s4] =	dma.local [hbm:s3], $0xF7A  }
0x26: {  	[smem:$0x3F9D] =	sst s1;
	(tag) =	ssettag s2;
	_ =	strace s9  }
0x27: {  	s1 =	sld [smem:$0x3FAD]  }
0x28: {  	s2 =	sld [smem:$0x3FAE]  }
0x29: {  	s4 =	sld [smem:$0x3FB0]  }
0x2a: {  	p0 =	seq.s32 s5, $0x0;
	s5 =	sld [smem:$0x3FB1]  }
0x2b: {  	s6 =	sld [smem:$0x3FB2]  }
0x2c: {  	s7 =	sld [smem:$0x3FB3]  }
0x2d: {  	s3 =	simm.s32 $0x108;
	s8 =	sld [smem:$0x3FB4]  }
0x2e: {  	s3 =	simm.s32 @!p0 $0x1082;
	s9 =	sld [smem:$0x3FB5]  }
0x2f: {  	lr =	sadd.s32 s0, s3;
	s0 =	sld [smem:$0x3FAC]  }
0x30: {  	s3 =	sld [smem:$0x3FAF]  }
0x31: {  	[smem:$0x3FB8] =	sst s10  }
0x32: {  	s10 =	sld [smem:$0x3FB6];
	_ =	sdelay $0x3  }
0x33: {  	p0 =	seq.s32 s10, $0x1;
	s10 =	sld [smem:$0x3FB8];
	_ =	sdelay $0x3  }
0x34: {  	[smem:$0x3FB8] =	sst s10  }
0x35: {  	s10 =	sld [smem:$0x3FB7];
	_ =	sdelay $0x3  }
0x36: {  	p1 =	seq.s32 s10, $0x1;
	s10 =	sld [smem:$0x3FB8];
	_ =	sdelay $0x3  }
0x37: {  	[smem:$0x3FB8] =	sst s10  }
0x38: {  	s10 =	sld [smem:$0x3FB9]  }
0x39: {  	_ = 	snop;
	(pc) =	sbr.ind lr, $3  }
0x3a: {  	_ = 	snop  }
0x3b: {  	_ = 	snop  }
0x3c: {  	p2 =	seq.s32 s10, $0x1;
	s10 =	sld [smem:$0x3FB8]  }
0x3d: {  	_ =	shalt  }
0x3e: {  	_ =	shalt  }
0x3f: {  	_ =	shalt  }
0x40: {  	_ =	shalt  }
0x41: {  	_ =	shalt  }
0x42: {  	_ =	shalt  }
0x43: {  	_ =	shalt  }
0x44: {  	_ =	shalt  }
0x45: {  	_ =	shalt  }
0x46: {  	_ =	shalt  }
0x47: {  	_ =	shalt  }
0x48: {  	_ =	shalt  }
0x49: {  	_ =	shalt  }
0x4a: {  	_ =	shalt  }
0x4b: {  	_ =	shalt  }
0x4c: {  	_ =	shalt  }
0x4d: {  	_ =	shalt  }
0x4e: {  	_ =	shalt  }
0x4f: {  	_ =	shalt  }
0x50: {  	_ =	shalt  }
0x51: {  	_ =	shalt  }
0x52: {  	_ =	shalt  }
0x53: {  	_ =	shalt  }
0x54: {  	_ =	shalt  }
0x55: {  	_ =	shalt  }
0x56: {  	_ =	shalt  }
0x57: {  	_ =	shalt  }
0x58: {  	_ =	shalt  }
0x59: {  	_ =	shalt  }
0x5a: {  	_ =	shalt  }
0x5b: {  	_ =	shalt  }
0x5c: {  	_ =	shalt  }
0x5d: {  	_ =	shalt  }
0x5e: {  	_ =	shalt  }
0x5f: {  	_ =	shalt  }
0x60: {  	_ =	shalt  }
0x61: {  	_ =	shalt  }
0x62: {  	_ =	shalt  }
0x63: {  	_ =	shalt  }
0x64: {  	_ =	shalt  }
0x65: {  	_ =	shalt  }
0x66: {  	_ =	shalt  }
0x67: {  	_ =	shalt  }
0x68: {  	_ =	shalt  }
0x69: {  	_ =	shalt  }
0x6a: {  	_ =	shalt  }
0x6b: {  	_ =	shalt  }
0x6c: {  	_ =	shalt  }
0x6d: {  	_ =	shalt  }
0x6e: {  	_ =	shalt  }
0x6f: {  	_ =	shalt  }
0x70: {  	_ =	shalt  }
0x71: {  	_ =	shalt  }
0x72: {  	_ =	shalt  }
0x73: {  	_ =	shalt  }
0x74: {  	_ =	shalt  }
0x75: {  	_ =	shalt  }
0x76: {  	_ =	shalt  }
0x77: {  	_ =	shalt  }
0x78: {  	_ =	shalt  }
0x79: {  	_ =	shalt  }
0x7a: {  	_ =	shalt  }
0x7b: {  	_ =	shalt  }
0x7c: {  	_ =	shalt  }
0x7d: {  	_ =	shalt  }
0x7e: {  	_ =	shalt  }
0x7f: {  	_ =	shalt  }
0x80: {  	_ =	shalt  }
0x81: {  	_ =	shalt  }
0x82: {  	_ =	shalt  }
0x83: {  	_ =	shalt  }
0x84: {  	_ =	shalt  }
0x85: {  	_ =	shalt  }
0x86: {  	_ =	shalt  }
0x87: {  	_ =	shalt  }
.Lfunc_end0:
.L_simem_size_0:
called_computation.1_lowered:
.L_overlay_start_0:
0x88: {  	s2 =	sld [smem:$0x3FD9]  }
0x89: {  	s3 =	sld [smem:$0x3FFE];
	_ =	sdelay $0x1  }
0x8a: {  	s1 =	srdreg.scid  }
0x8b: {  	s0 =	sand.u32 $0x1, s1  }
0x8c: {  	s17 =	sshll.u32 s0, $0xA;
	s2 =	sadd.s32 s3, s2  }
0x8d: {  	s2 =	sadd.s32 s2, s17  }
0x8e: {  	[smem:$0x3FC4] =	sst s2  }
0x8f: {  	_ = 	snop  }
0x90: {  	s2 =	sld [smem:$0x3FD0];
	(tm) =	ssettm $0x1  }
0x91: {  	s18 =	sld [smem:$0x3FFB];
	_ =	sdelay $0x3  }
0x92: {  	_ =	strace s18  }
0x93: {  	s3 =	sld [smem:$0x3FFC];
	_ =	sdelay $0x3  }
0x94: {  	_ =	strace s3  }
0x95: {  	s3 =	sld [smem:$0x3FFD];
	_ =	sdelay $0x3  }
0x96: {  	_ =	strace s3  }
0x97: {  	_ =	strace $0x8FFFFFFF  }
0x98: {  	s19 =	sld [smem:$0x3FDB];
	_ =	sdelay $0x1  }
0x99: {  	s4 =	simm.s32 $_scs_section_size  }
0x9a: {  	s5 =	simm.s32 $_size__tile_overlayer_lowered;
	s6 =	simm.s32 $_tile_overlayer_lowered  }
0x9b: {  	s22 =	simm.s32 $0x1BFF;
	s21 =	sshll.u32 s6, $0x1;
	s3 =	sadd.s32 s4, s19  }
0x9c: {  	s7 =	simm.s32 $0x0;
	s20 =	sshll.u32 s5, $0x1;
	s5 =	sadd.s32 s21, s3  }
0x9d: {  	[timem:s7], [sflag:s22] =	dma.local [hbm:s5], s20  }
0x9e: {  	_ =	swait.ge [sflag:s22], s20  }
0x9f: {  	s4 =	ssub.s32 $0x0, s20;
	[sflag:s22] =	ssyncset.done $0x0  }
0xa0: {  	[sflag:s22] =	ssyncadd.s32 s4;
	_ =	sdelay $0x1  }
0xa1: {  	s23 =	simm.s32 $0x1B8B  }
0xa2: {  	_ =	swait.ge [sflag:s23], $0x1  }
0xa3: {  	[sflag:s23] =	ssyncset.done $0x0  }
0xa4: {  	s25 =	simm.s32 $0x1B8E;
	s24 =	sld [smem:$0x3FFE];
	[sflag:s23] =	ssyncadd.s32 $0xFFFFFFFF  }
0xa5: {  	s26 =	simm.s32 $execute0_lowered;
	[smem:$0x3FD2] =	sst s25  }
0xa6: {  	s5 =	sshll.u32 s26, $0x1;
	_ =	strace $0x80000049;
	[dreg:$0x1] =	wrdreg $0xFFFFFFFF  }
0xa7: {  	s28 =	simm.s32 $_size_execute0_lowered;
	s3 =	sadd.s32 s3, s5;
	[dreg:$0x0] =	wrdreg $0x0  }
0xa8: {  	s5 =	sshll.u32 s28, $0x1;
	[dreg:$0x2] =	wrdreg s3  }
0xa9: {  	[dreg:$0x3] =	wrdreg s5  }
0xaa: {  	[dreg:$0x4] =	wrdreg $0xC0  }
0xab: {  	_ =	task [dreg:s7], $0x5FFFF  }
0xac: {  	[dreg:$0x1] =	wrdreg $0xFFFFFFFF  }
0xad: {  	[dreg:$0x0] =	wrdreg $0x60  }
0xae: {  	[dreg:$0x2] =	wrdreg s24  }
0xaf: {  	[dreg:$0x3] =	wrdreg s2  }
0xb0: {  	[dreg:$0x4] =	wrdreg $0xA4000  }
0xb1: {  	[dreg:$0x5] =	wrdreg $0x9  }
0xb2: {  	_ =	task.clear_ibuf [dreg:s7], $0x6FFFF;
	_ =	strace $0x90000049  }
0xb3: {  	s29 =	simm.s32 $0x9;
	_ =	strace $0x8000004B  }
0xb4: {  	_ =	swait.ge [sflag:s29], $0x1  }
0xb5: {  	[sflag:s29] =	ssyncadd.s32 $0xFFFFFFFF  }
0xb6: {  	_ =	strace $0x9000004B  }
0xb7: {  	_ =	sfence  }
0xb8: {  	s30 =	sld [smem:$0x0];
	_ =	sdelay $0x2  }
0xb9: {  	s31 =	sshll.u32 s1, $0xD;
	s1 =	sshrl.u32 s1, $0x2  }
0xba: {  	s3 =	sand.u32 $0x4000, s31;
	s1 =	sadd.s32 s1, s30  }
0xbb: {  	s0 =	sor.u32 s3, s0;
	s1 =	sshll.u32 s1, $0x11  }
0xbc: {  	s0 =	sor.u32 s1, s0  }
0xbd: {  	s0 =	sadd.s32 $0x8F2B, s0  }
0xbe: {  	[sflag:s0] =	ssyncadd.remote.s32 $0x1  }
0xbf: {  	_ =	sfence.sel $0xFFFF  }
0xc0: {  	[dreg:$0x0] =	wrdreg $0xFFFFFFFF;
	(pc) =	sbr.abs _section_cstart, $3  }
0xc1: {  	[dreg:$0x1] =	wrdreg $0xFFFFFFFF  }
0xc2: {  	_ =	task.clear_ibuf [dreg:s7], $0x2FFFF;
	_ =	strace $0x9FFFFFFF  }
0xc3: {  	(tm) =	ssettm $0x7FFFFFFF  }
tec
execute0_lowered:
.L_overlay_start_1:
0x0: {  	(tag) =	ssettag $0x1  }
0x1: {  	s0 =	rddreg [dreg:$0x0]  }
0x2: {  	s2 =	rddreg [dreg:$0x1]  }
0x3: {  	s3 =	rddreg [dreg:$0x2]  }
0x4: {  	s13 =	stileid.u32;
	s1 =	srdreg.scid;
	s4 =	simm.s32 $0x0  }
0x5: {  	s28 =	simm.s32 $0x4;
	s29 =	simm.s32 $0x7C00;
	s5 =	smul.u32 $0x14000, s13  }
0x6: {  	s30 =	simm.s32 $0x9;
	s31 =	simm.s32 $0x5;
	s9 =	smul.u32 $0x50000, s13  }
0x7: {  	s1 =	sand.u32 $0x1, s1;
	[smem:$0x7FF] =	sst s4;
	s12 =	smul.u32 $0x4E20, s13  }
0x8: {  	s7 =	sadd.s32 $0x1600, s0;
	s11 =	sshll.u32 s13, $0x1;
	s6 =	smul.u32 $0x140000, s1  }
0x9: {  	_ =	strace $0x8000004A;
	s25 =	ssub.s32 $0x2, s1;
	s11 =	sor.u32 s1, s11  }
0xa: {  	s1 =	smul.u32 $0x2710, s1;
	s8 =	sshrl.u32 s5, $0x3;
	s10 =	sshrl.u32 s25, $0x1  }
0xb: {  	s9 =	sshrl.u32 s9, $0x2;
	s26 =	smul.u32 $0x2710, s11;
	s11 =	sshll.u32 s13, $0x6  }
0xc: {  	s5 =	sadd.s32 s5, s6;
	s6 =	sadd.s32 $0xB400, s0;
	s8 =	sadd.s32 s8, s0  }
0xd: {  	s9 =	sadd.s32 s9, s3;
	s1 =	sadd.s32 s1, s12;
	s12 =	sor.u32 $0x1C11, s11  }
0xe: {  	s11 =	simm.s32 $0x0;
	s5 =	sshrl.u32 s5, $0x3;
	[dreg:$0xc] =	wrdreg s9  }
0xf: {  	s8 =	sadd.s32 $0x15200, s8;
	s13 =	sshrl.u32 s26, $0x3;
	s14 =	sshrl.u32 s1, $0x3  }
0x10: {  	s16 =	sadd.s32 $0xF0, s1;
	s19 =	sadd.s32 $0xA0, s1;
	[dreg:$0xe] =	wrdreg s12  }
0x11: {  	s1 =	sadd.s32 $0x50, s1;
	[dreg:$0xd] =	wrdreg s8;
	s15 =	sadd.s32 s14, s6  }
0x12: {  	s9 =	sadd.s32 s14, s7;
	s17 =	sshrl.u32 s16, $0x3;
	[dreg:$0x4] =	wrdreg s15  }
0x13: {  	s0 =	sadd.s32 s5, s0;
	[dreg:$0x5] =	wrdreg s9;
	s18 =	sadd.s32 s17, s6  }
0x14: {  	s21 =	sshrl.u32 s19, $0x3;
	s20 =	sadd.s32 s17, s7;
	[dreg:$0x6] =	wrdreg s18  }
0x15: {  	s8 =	sadd.s32 $0x4D8, s13;
	s22 =	sadd.s32 s21, s6;
	[dreg:$0x7] =	wrdreg s20  }
0x16: {  	s5 =	ssub.s32 s25, s10;
	s24 =	sadd.s32 s7, s8;
	[dreg:$0x8] =	wrdreg s22  }
0x17: {  	s1 =	sshrl.u32 s1, $0x3;
	s23 =	sadd.s32 s21, s7;
	[dreg:$0xf] =	wrdreg s24  }
0x18: {  	s25 =	sadd.s32 s1, s6;
	s6 =	sadd.s32 s6, s8;
	[dreg:$0x9] =	wrdreg s23  }
0x19: {  	s10 =	simm.s32 $0x11;
	s19 =	simm.s32 $0x300;
	[dreg:$0x10] =	wrdreg s6  }
0x1a: {  	s1 =	sadd.s32 s1, s7;
	s0 =	sadd.s32 $0x3D200, s0;
	[dreg:$0xa] =	wrdreg s25  }
0x1b: {  	s26 =	smax.u32 s5, $0x1;
	s17 =	simm.s32 $0x380;
	[dreg:$0x11] =	wrdreg s0  }
0x1c: {  	s21 =	simm.s32 $0x50;
	s5 =	simm.s32 $0xB;
	[dreg:$0x12] =	wrdreg s26  }
0x1d: {  	s8 =	simm.s32 $0xC;
	s9 =	simm.s32 $0x8;
	[dreg:$0xb] =	wrdreg s1  }
0x1e: {  	s20 =	simm.s32 $0x1;
	s23 =	simm.s32 $0x2;
	s24 =	simm.s32 $0x2C00  }
0x1f: {  	s25 =	simm.s32 $0x3;
	s26 =	simm.s32 $0x5400;
	s0 =	simm.s32 $0xA  }
0x20: {  	s1 =	simm.s32 $0x6;
	s6 =	simm.s32 $0x7;
	s22 =	simm.s32 $0x380  }
.LBB2_1:
0x21: {  	[dreg:$0x13] =	wrdreg s11  }
0x22: {  	s7 =	rddreg [dreg:$0xc]  }
0x23: {  	s18 =	rddreg [dreg:$0xd];
	s16 =	sshrl.u32 s7, $0x3  }
0x24: {  	[dreg:$0x14] =	wrdreg s16  }
0x25: {  	[spmem:s16], [sflag:s12] =	dma.local [hbm:s18], $0x2800  }
0x26: {  	_ =	swait.ge [sflag:s10], $0x2800  }
0x27: {  	[sflag:s10] =	ssyncset.done $0x0  }
0x28: {  	p0 =	por $0x1, $0x1;
	[sflag:s10] =	ssyncadd.s32 $0xFFFFD800  }
0x29: {  	s7 =	simm.s32 @!p0 $0xD;
	[bflag:$0x0] =	sbarrier.arrive $0xFFFF  }
0x2a: {  	_ =	swait.ge @!p0 [sflag:s7], $0x2800  }
0x2b: {  	s12 =	rddreg [dreg:$0x5];
	[sflag:s7] =	ssyncset.done @!p0 $0x0  }
0x2c: {  	s13 =	rddreg [dreg:$0x4];
	[sflag:s7] =	ssyncadd.s32 @!p0 $0xFFFFD800;
	s14 =	sadd.s32 $0x0, s12  }
0x2d: {  	[tilespmem:s4], [sflag:$0x1] =	stream.linear.gather [hbm4b:s14+s4], $0x50, $0x38;
	[tilespmem:$0x1E400] =	vst v63  }
0x2e: {  	s10 =	simm.s32 @!p0 $0xE;
	s15 =	sadd.s32 $0x0, s13;
	s12 =	simm.s32 $0x200  }
0x2f: {  	[tilespmem:s12], [sflag:$0x5] =	stream.linear.gather [hbm4b:s15+s4], $0x50, $0x38;
	[tilespmem:$0x1E400] =	vst v63  }
0x30: {  	_ =	swait.ge @!p0 [sflag:s10], $0x2800  }
0x31: {  	s13 =	simm.s32 $0x80;
	s16 =	rddreg [dreg:$0xb];
	[sflag:s10] =	ssyncset.done @!p0 $0x0  }
0x32: {  	s18 =	rddreg [dreg:$0xa];
	[sflag:s10] =	ssyncadd.s32 @!p0 $0xFFFFD800;
	s7 =	sadd.s32 $0x0, s16  }
0x33: {  	[tilespmem:s13], [sflag:$0x2] =	stream.linear.gather [hbm4b:s7+s4], $0x50, $0x38;
	[tilespmem:$0x1E400] =	vst v63  }
0x34: {  	s14 =	simm.s32 $0x280;
	s11 =	sadd.s32 $0x0, s18;
	s10 =	simm.s32 @!p0 $0xF  }
0x35: {  	[tilespmem:s14], [sflag:$0x6] =	stream.linear.gather [hbm4b:s11+s4], $0x50, $0x38;
	[tilespmem:$0x1E400] =	vst v63  }
0x36: {  	_ =	swait.ge @!p0 [sflag:s10], $0x2800  }
0x37: {  	s15 =	rddreg [dreg:$0x9]  }
0x38: {  	[sflag:s10] =	ssyncset.done @!p0 $0x0;
	s16 =	rddreg [dreg:$0x8]  }
0x39: {  	[sflag:s10] =	ssyncadd.s32 @!p0 $0xFFFFD800;
	s7 =	sadd.s32 $0x0, s15;
	s15 =	simm.s32 $0x100  }
0x3a: {  	[tilespmem:s15], [sflag:$0x3] =	stream.linear.gather [hbm4b:s7+s4], $0x50, $0x38;
	[tilespmem:$0x1E400] =	vst v63  }
0x3b: {  	s18 =	sadd.s32 $0x0, s16;
	s10 =	simm.s32 @!p0 $0x10;
	s16 =	simm.s32 $0x300  }
0x3c: {  	[tilespmem:s16], [sflag:$0x7] =	stream.linear.gather [hbm4b:s18+s4], $0x50, $0x38;
	[tilespmem:$0x1E400] =	vst v63  }
0x3d: {  	_ =	swait.ge @!p0 [sflag:s10], $0x2800  }
0x3e: {  	s11 =	rddreg [dreg:$0x7]  }
0x3f: {  	[sflag:s10] =	ssyncset.done @!p0 $0x0;
	s18 =	rddreg [dreg:$0x6]  }
0x40: {  	[sflag:s10] =	ssyncadd.s32 @!p0 $0xFFFFD800;
	s7 =	sadd.s32 $0x0, s11;
	s10 =	simm.s32 $0x180  }
0x41: {  	[tilespmem:s10], [sflag:$0x4] =	stream.linear.gather [hbm4b:s7+s4], $0x50, $0x38;
	[tilespmem:$0x1E400] =	vst v63  }
0x42: {  	s11 =	sadd.s32 $0x0, s18  }
0x43: {  	[tilespmem:s17], [sflag:$0x8] =	stream.linear.gather [hbm4b:s11+s4], $0x50, $0x38;
	[tilespmem:$0x1E400] =	vst v63  }
0x44: {  	_ =	swait.ge [sflag:s20], $0x50  }
0x45: {  	[sflag:s20] =	ssyncset.done $0x0  }
0x46: {  	s18 =	simm.s32 $0x400;
	[sflag:s20] =	ssyncadd.s32 $0xFFFFFFB0  }
0x47: {  	[tilespmem:s18], [sflag:$0x9] =	stream.indirect.gather [hbm4b:s2+s21], $0x80, s4, s21, $0xb8;
	[tilespmem:$0x1E400] =	vst v63  }
0x48: {  	_ =	swait.ge [sflag:s23], $0x50  }
0x49: {  	[sflag:s23] =	ssyncset.done $0x0  }
0x4a: {  	[sflag:s23] =	ssyncadd.s32 $0xFFFFFFB0  }
0x4b: {  	[tilespmem:s24], [sflag:$0xA] =	stream.indirect.gather [hbm4b:s2+s21], $0x80, s13, s21, $0xb8;
	[tilespmem:$0x1E400] =	vst v63  }
0x4c: {  	_ =	swait.ge [sflag:s25], $0x50  }
0x4d: {  	[sflag:s25] =	ssyncset.done $0x0  }
0x4e: {  	[sflag:s25] =	ssyncadd.s32 $0xFFFFFFB0  }
0x4f: {  	[tilespmem:s26], [sflag:$0xB] =	stream.indirect.gather [hbm4b:s2+s21], $0x80, s15, s21, $0xb8;
	[tilespmem:$0x1E400] =	vst v63  }
0x50: {  	_ =	swait.ge [sflag:s28], $0x50  }
0x51: {  	[sflag:s28] =	ssyncset.done $0x0  }
0x52: {  	[sflag:s28] =	ssyncadd.s32 $0xFFFFFFB0  }
0x53: {  	[tilespmem:s29], [sflag:$0xC] =	stream.indirect.gather [hbm4b:s2+s21], $0x80, s10, s21, $0xb8;
	[tilespmem:$0x1E400] =	vst v63  }
0x54: {  	_ =	swait.ge [sflag:s30], $0x2800  }
0x55: {  	[sflag:s30] =	ssyncset.done $0x0  }
0x56: {  	[sflag:s30] =	ssyncadd.s32 $0xFFFFD800  }
0x57: {  	_ =	swait.ge [sflag:s31], $0x50  }
0x58: {  	[sflag:s31] =	ssyncset.done $0x0  }
0x59: {  	[sflag:s31] =	ssyncadd.s32 $0xFFFFFFB0  }
0x5a: {  	[spmem:s3] =	stream.indirect.scatter.add.f32 [tilespmem:s18], [sflag:$0xD], $0x80, s12, s21, $0xb8;
	[tilespmem:$0x1E400] =	vst v63  }
0x5b: {  	_ =	swait.ge [sflag:s0], $0x2800  }
0x5c: {  	[sflag:s0] =	ssyncset.done $0x0  }
0x5d: {  	[sflag:s0] =	ssyncadd.s32 $0xFFFFD800  }
0x5e: {  	_ =	swait.ge [sflag:s1], $0x50  }
0x5f: {  	[sflag:s1] =	ssyncset.done $0x0  }
0x60: {  	[sflag:s1] =	ssyncadd.s32 $0xFFFFFFB0  }
0x61: {  	[spmem:s3] =	stream.indirect.scatter.add.f32 [tilespmem:s24], [sflag:$0xE], $0x80, s14, s21, $0xb8;
	[tilespmem:$0x1E400] =	vst v63  }
0x62: {  	_ =	swait.ge [sflag:s5], $0x2800  }
0x63: {  	[sflag:s5] =	ssyncset.done $0x0  }
0x64: {  	[sflag:s5] =	ssyncadd.s32 $0xFFFFD800  }
0x65: {  	_ =	swait.ge [sflag:s6], $0x50  }
0x66: {  	[sflag:s6] =	ssyncset.done $0x0  }
0x67: {  	[sflag:s6] =	ssyncadd.s32 $0xFFFFFFB0  }
0x68: {  	[spmem:s3] =	stream.indirect.scatter.add.f32 [tilespmem:s26], [sflag:$0xF], $0x80, s16, s21, $0xb8;
	[tilespmem:$0x1E400] =	vst v63  }
0x69: {  	_ =	swait.ge [sflag:s8], $0x2800  }
0x6a: {  	[sflag:s8] =	ssyncset.done $0x0  }
0x6b: {  	[sflag:s8] =	ssyncadd.s32 $0xFFFFD800  }
0x6c: {  	p1 =	por $0x0, $0x0;
	_ =	swait.ge [sflag:s9], $0x50  }
0x6d: {  	s7 =	simm.s32 $0x28;
	s11 =	simm.s32 $0x50;
	[sflag:s9] =	ssyncset.done $0x0  }
.LBB2_2:
0x6e: {  	s12 =	simm.s32 @!p1 $0xD;
	[sflag:s9] =	ssyncadd.s32 $0xFFFFFFB0  }
0x6f: {  	[spmem:s3] =	stream.indirect.scatter.add.f32 [tilespmem:s29], [sflag:$0x10], $0x80, s22, s21, $0xb8;
	[tilespmem:$0x1E400] =	vst v63  }
0x70: {  	_ =	swait.ge @!p1 [sflag:s12], $0x2800  }
0x71: {  	[sflag:s12] =	ssyncset.done @!p1 $0x0;
	s13 =	rddreg [dreg:$0x5]  }
0x72: {  	s17 =	rddreg [dreg:$0x4];
	[sflag:s12] =	ssyncadd.s32 @!p1 $0xFFFFD800;
	s13 =	sadd.s32 s7, s13  }
0x73: {  	[tilespmem:s4], [sflag:$0x1] =	stream.linear.gather [hbm4b:s13+s4], $0x50, $0x38;
	[tilespmem:$0x1E400] =	vst v63  }
0x74: {  	s15 =	simm.s32 $0x200;
	s12 =	sadd.s32 s7, s17;
	s13 =	simm.s32 @!p1 $0xE  }
0x75: {  	[tilespmem:s15], [sflag:$0x5] =	stream.linear.gather [hbm4b:s12+s4], $0x50, $0x38;
	[tilespmem:$0x1E400] =	vst v63  }
0x76: {  	_ =	swait.ge @!p1 [sflag:s13], $0x2800  }
0x77: {  	s16 =	simm.s32 $0x80;
	s18 =	rddreg [dreg:$0xb];
	[sflag:s13] =	ssyncset.done @!p1 $0x0  }
0x78: {  	s14 =	rddreg [dreg:$0xa];
	[sflag:s13] =	ssyncadd.s32 @!p1 $0xFFFFD800;
	s12 =	sadd.s32 s7, s18  }
0x79: {  	[tilespmem:s16], [sflag:$0x2] =	stream.linear.gather [hbm4b:s12+s4], $0x50, $0x38;
	[tilespmem:$0x1E400] =	vst v63  }
0x7a: {  	s17 =	simm.s32 $0x280;
	s14 =	sadd.s32 s7, s14;
	s13 =	simm.s32 @!p1 $0xF  }
0x7b: {  	[tilespmem:s17], [sflag:$0x6] =	stream.linear.gather [hbm4b:s14+s4], $0x50, $0x38;
	[tilespmem:$0x1E400] =	vst v63  }
0x7c: {  	_ =	swait.ge @!p1 [sflag:s13], $0x2800  }
0x7d: {  	s18 =	rddreg [dreg:$0x9]  }
0x7e: {  	[sflag:s13] =	ssyncset.done @!p1 $0x0;
	s14 =	rddreg [dreg:$0x8]  }
0x7f: {  	[sflag:s13] =	ssyncadd.s32 @!p1 $0xFFFFD800;
	s12 =	sadd.s32 s7, s18;
	s18 =	simm.s32 $0x100  }
0x80: {  	[tilespmem:s18], [sflag:$0x3] =	stream.linear.gather [hbm4b:s12+s4], $0x50, $0x38;
	[tilespmem:$0x1E400] =	vst v63  }
0x81: {  	s14 =	sadd.s32 s7, s14;
	s13 =	simm.s32 @!p1 $0x10  }
0x82: {  	[tilespmem:s19], [sflag:$0x7] =	stream.linear.gather [hbm4b:s14+s4], $0x50, $0x38;
	[tilespmem:$0x1E400] =	vst v63  }
0x83: {  	_ =	swait.ge @!p1 [sflag:s13], $0x2800  }
0x84: {  	s12 =	rddreg [dreg:$0x7]  }
0x85: {  	[sflag:s13] =	ssyncset.done @!p1 $0x0;
	s14 =	rddreg [dreg:$0x6]  }
0x86: {  	[sflag:s13] =	ssyncadd.s32 @!p1 $0xFFFFD800;
	s12 =	sadd.s32 s7, s12;
	s13 =	simm.s32 $0x180  }
0x87: {  	[tilespmem:s13], [sflag:$0x4] =	stream.linear.gather [hbm4b:s12+s4], $0x50, $0x38;
	[tilespmem:$0x1E400] =	vst v63  }
0x88: {  	s14 =	sadd.s32 s7, s14  }
0x89: {  	[tilespmem:s22], [sflag:$0x8] =	stream.linear.gather [hbm4b:s14+s4], $0x50, $0x38;
	[tilespmem:$0x1E400] =	vst v63  }
0x8a: {  	_ =	swait.ge [sflag:s20], $0x50  }
0x8b: {  	[sflag:s20] =	ssyncset.done $0x0  }
0x8c: {  	s14 =	simm.s32 $0x400;
	[sflag:s20] =	ssyncadd.s32 $0xFFFFFFB0  }
0x8d: {  	[tilespmem:s14], [sflag:$0x9] =	stream.indirect.gather [hbm4b:s2+s21], $0x80, s4, s21, $0xb8;
	[tilespmem:$0x1E400] =	vst v63  }
0x8e: {  	_ =	swait.ge [sflag:s23], $0x50  }
0x8f: {  	[sflag:s23] =	ssyncset.done $0x0  }
0x90: {  	[sflag:s23] =	ssyncadd.s32 $0xFFFFFFB0  }
0x91: {  	[tilespmem:s24], [sflag:$0xA] =	stream.indirect.gather [hbm4b:s2+s21], $0x80, s16, s21, $0xb8;
	[tilespmem:$0x1E400] =	vst v63  }
0x92: {  	_ =	swait.ge [sflag:s25], $0x50  }
0x93: {  	[sflag:s25] =	ssyncset.done $0x0  }
0x94: {  	[sflag:s25] =	ssyncadd.s32 $0xFFFFFFB0  }
0x95: {  	[tilespmem:s26], [sflag:$0xB] =	stream.indirect.gather [hbm4b:s2+s21], $0x80, s18, s21, $0xb8;
	[tilespmem:$0x1E400] =	vst v63  }
0x96: {  	_ =	swait.ge [sflag:s28], $0x50  }
0x97: {  	[sflag:s28] =	ssyncset.done $0x0  }
0x98: {  	[sflag:s28] =	ssyncadd.s32 $0xFFFFFFB0  }
0x99: {  	[tilespmem:s29], [sflag:$0xC] =	stream.indirect.gather [hbm4b:s2+s21], $0x80, s13, s21, $0xb8;
	[tilespmem:$0x1E400] =	vst v63  }
0x9a: {  	_ =	swait.ge [sflag:s30], $0x2800  }
0x9b: {  	[sflag:s30] =	ssyncset.done $0x0  }
0x9c: {  	[sflag:s30] =	ssyncadd.s32 $0xFFFFD800  }
0x9d: {  	_ =	swait.ge [sflag:s31], $0x50  }
0x9e: {  	[sflag:s31] =	ssyncset.done $0x0  }
0x9f: {  	[sflag:s31] =	ssyncadd.s32 $0xFFFFFFB0  }
0xa0: {  	[spmem:s3] =	stream.indirect.scatter.add.f32 [tilespmem:s14], [sflag:$0xD], $0x80, s15, s21, $0xb8;
	[tilespmem:$0x1E400] =	vst v63  }
0xa1: {  	_ =	swait.ge [sflag:s0], $0x2800  }
0xa2: {  	[sflag:s0] =	ssyncset.done $0x0  }
0xa3: {  	[sflag:s0] =	ssyncadd.s32 $0xFFFFD800  }
0xa4: {  	_ =	swait.ge [sflag:s1], $0x50  }
0xa5: {  	[sflag:s1] =	ssyncset.done $0x0  }
0xa6: {  	[sflag:s1] =	ssyncadd.s32 $0xFFFFFFB0  }
0xa7: {  	[spmem:s3] =	stream.indirect.scatter.add.f32 [tilespmem:s24], [sflag:$0xE], $0x80, s17, s21, $0xb8;
	[tilespmem:$0x1E400] =	vst v63  }
0xa8: {  	_ =	swait.ge [sflag:s5], $0x2800  }
0xa9: {  	[sflag:s5] =	ssyncset.done $0x0  }
0xaa: {  	[sflag:s5] =	ssyncadd.s32 $0xFFFFD800  }
0xab: {  	_ =	swait.ge [sflag:s6], $0x50  }
0xac: {  	s10 =	smov.u32 s11;
	s11 =	sadd.s32 $0x28, s11;
	[sflag:s6] =	ssyncset.done $0x0  }
0xad: {  	p0 =	sne.s32 s11, $0x4D8;
	[sflag:s6] =	ssyncadd.s32 $0xFFFFFFB0  }
0xae: {  	[spmem:s3] =	stream.indirect.scatter.add.f32 [tilespmem:s26], [sflag:$0xF], $0x80, s19, s21, $0xb8;
	[tilespmem:$0x1E400] =	vst v63  }
.Ltmp0:
0xaf: {  	_ =	swait.ge [sflag:s8], $0x2800;
	(pc) =	sbr.rel @p0 .LBB2_2-.Ltmp0, $4  }
0xb0: {  	[sflag:s8] =	ssyncset.done $0x0  }
0xb1: {  	[sflag:s8] =	ssyncadd.s32 $0xFFFFD800  }
0xb2: {  	s7 =	smov.u32 s10;
	_ =	swait.ge [sflag:s9], $0x50  }
0xb3: {  	p1 =	seq.s32 s7, $0x0;
	[sflag:s9] =	ssyncset.done $0x0  }
0xb4: {  	s10 =	simm.s32 @!p1 $0xD;
	[sflag:s9] =	ssyncadd.s32 $0xFFFFFFB0;
	s18 =	simm.s32 $0x380  }
0xb5: {  	[spmem:s3] =	stream.indirect.scatter.add.f32 [tilespmem:s29], [sflag:$0x10], $0x80, s18, s21, $0xb8;
	[tilespmem:$0x1E400] =	vst v63  }
0xb6: {  	_ =	swait.ge @!p1 [sflag:s10], $0x2800  }
0xb7: {  	s11 =	rddreg [dreg:$0x5];
	[sflag:s10] =	ssyncset.done @!p1 $0x0  }
0xb8: {  	s12 =	rddreg [dreg:$0x4];
	[sflag:s10] =	ssyncadd.s32 @!p1 $0xFFFFD800;
	s14 =	sadd.s32 s7, s11  }
0xb9: {  	[tilespmem:s4], [sflag:$0x1] =	stream.linear.gather [hbm4b:s14+s4], $0x50, $0x38;
	[tilespmem:$0x1E400] =	vst v63  }
0xba: {  	s13 =	simm.s32 $0x200;
	s15 =	sadd.s32 s7, s12;
	s11 =	simm.s32 @!p1 $0xE  }
0xbb: {  	[tilespmem:s13], [sflag:$0x5] =	stream.linear.gather [hbm4b:s15+s4], $0x50, $0x38;
	[tilespmem:$0x1E400] =	vst v63  }
0xbc: {  	_ =	swait.ge @!p1 [sflag:s11], $0x2800  }
0xbd: {  	s14 =	simm.s32 $0x80;
	s16 =	rddreg [dreg:$0xb];
	[sflag:s11] =	ssyncset.done @!p1 $0x0  }
0xbe: {  	s17 =	rddreg [dreg:$0xa];
	[sflag:s11] =	ssyncadd.s32 @!p1 $0xFFFFD800;
	s10 =	sadd.s32 s7, s16  }
0xbf: {  	[tilespmem:s14], [sflag:$0x2] =	stream.linear.gather [hbm4b:s10+s4], $0x50, $0x38;
	[tilespmem:$0x1E400] =	vst v63  }
0xc0: {  	s15 =	simm.s32 $0x280;
	s12 =	sadd.s32 s7, s17;
	s11 =	simm.s32 @!p1 $0xF  }
0xc1: {  	[tilespmem:s15], [sflag:$0x6] =	stream.linear.gather [hbm4b:s12+s4], $0x50, $0x38;
	[tilespmem:$0x1E400] =	vst v63  }
0xc2: {  	_ =	swait.ge @!p1 [sflag:s11], $0x2800  }
0xc3: {  	s16 =	rddreg [dreg:$0x9]  }
0xc4: {  	[sflag:s11] =	ssyncset.done @!p1 $0x0;
	s17 =	rddreg [dreg:$0x8]  }
0xc5: {  	[sflag:s11] =	ssyncadd.s32 @!p1 $0xFFFFD800;
	s10 =	sadd.s32 s7, s16;
	s16 =	simm.s32 $0x100  }
0xc6: {  	[tilespmem:s16], [sflag:$0x3] =	stream.linear.gather [hbm4b:s10+s4], $0x50, $0x38;
	[tilespmem:$0x1E400] =	vst v63  }
0xc7: {  	s12 =	sadd.s32 s7, s17;
	s11 =	simm.s32 @!p1 $0x10;
	s17 =	simm.s32 $0x300  }
0xc8: {  	[tilespmem:s17], [sflag:$0x7] =	stream.linear.gather [hbm4b:s12+s4], $0x50, $0x38;
	[tilespmem:$0x1E400] =	vst v63  }
0xc9: {  	_ =	swait.ge @!p1 [sflag:s11], $0x2800  }
0xca: {  	s10 =	rddreg [dreg:$0x7]  }
0xcb: {  	[sflag:s11] =	ssyncset.done @!p1 $0x0;
	s12 =	rddreg [dreg:$0x6]  }
0xcc: {  	[sflag:s11] =	ssyncadd.s32 @!p1 $0xFFFFD800;
	s10 =	sadd.s32 s7, s10;
	s11 =	simm.s32 $0x180  }
0xcd: {  	[tilespmem:s11], [sflag:$0x4] =	stream.linear.gather [hbm4b:s10+s4], $0x50, $0x38;
	[tilespmem:$0x1E400] =	vst v63  }
0xce: {  	s12 =	sadd.s32 s7, s12  }
0xcf: {  	[tilespmem:s18], [sflag:$0x8] =	stream.linear.gather [hbm4b:s12+s4], $0x50, $0x38;
	[tilespmem:$0x1E400] =	vst v63  }
0xd0: {  	_ =	swait.ge [sflag:s20], $0x50  }
0xd1: {  	[sflag:s20] =	ssyncset.done $0x0  }
0xd2: {  	s12 =	simm.s32 $0x400;
	[sflag:s20] =	ssyncadd.s32 $0xFFFFFFB0  }
0xd3: {  	[tilespmem:s12], [sflag:$0x9] =	stream.indirect.gather [hbm4b:s2+s21], $0x80, s4, s21, $0xb8;
	[tilespmem:$0x1E400] =	vst v63  }
0xd4: {  	_ =	swait.ge [sflag:s23], $0x50  }
0xd5: {  	[sflag:s23] =	ssyncset.done $0x0  }
0xd6: {  	[sflag:s23] =	ssyncadd.s32 $0xFFFFFFB0  }
0xd7: {  	[tilespmem:s24], [sflag:$0xA] =	stream.indirect.gather [hbm4b:s2+s21], $0x80, s14, s21, $0xb8;
	[tilespmem:$0x1E400] =	vst v63  }
0xd8: {  	_ =	swait.ge [sflag:s25], $0x50  }
0xd9: {  	[sflag:s25] =	ssyncset.done $0x0  }
0xda: {  	[sflag:s25] =	ssyncadd.s32 $0xFFFFFFB0  }
0xdb: {  	[tilespmem:s26], [sflag:$0xB] =	stream.indirect.gather [hbm4b:s2+s21], $0x80, s16, s21, $0xb8;
	[tilespmem:$0x1E400] =	vst v63  }
0xdc: {  	_ =	swait.ge [sflag:s28], $0x50  }
0xdd: {  	[sflag:s28] =	ssyncset.done $0x0  }
0xde: {  	[sflag:s28] =	ssyncadd.s32 $0xFFFFFFB0  }
0xdf: {  	[tilespmem:s29], [sflag:$0xC] =	stream.indirect.gather [hbm4b:s2+s21], $0x80, s11, s21, $0xb8;
	[tilespmem:$0x1E400] =	vst v63  }
0xe0: {  	_ =	swait.ge [sflag:s30], $0x2800  }
0xe1: {  	[sflag:s30] =	ssyncset.done $0x0  }
0xe2: {  	[sflag:s30] =	ssyncadd.s32 $0xFFFFD800  }
0xe3: {  	_ =	swait.ge [sflag:s31], $0x50  }
0xe4: {  	[sflag:s31] =	ssyncset.done $0x0  }
0xe5: {  	[sflag:s31] =	ssyncadd.s32 $0xFFFFFFB0  }
0xe6: {  	[spmem:s3] =	stream.indirect.scatter.add.f32 [tilespmem:s12], [sflag:$0xD], $0x80, s13, s21, $0xb8;
	[tilespmem:$0x1E400] =	vst v63  }
0xe7: {  	_ =	swait.ge [sflag:s0], $0x2800  }
0xe8: {  	[sflag:s0] =	ssyncset.done $0x0  }
0xe9: {  	[sflag:s0] =	ssyncadd.s32 $0xFFFFD800  }
0xea: {  	_ =	swait.ge [sflag:s1], $0x50  }
0xeb: {  	[sflag:s1] =	ssyncset.done $0x0  }
0xec: {  	[sflag:s1] =	ssyncadd.s32 $0xFFFFFFB0  }
0xed: {  	[spmem:s3] =	stream.indirect.scatter.add.f32 [tilespmem:s24], [sflag:$0xE], $0x80, s15, s21, $0xb8;
	[tilespmem:$0x1E400] =	vst v63  }
0xee: {  	_ =	swait.ge [sflag:s5], $0x2800  }
0xef: {  	[sflag:s5] =	ssyncset.done $0x0  }
0xf0: {  	[sflag:s5] =	ssyncadd.s32 $0xFFFFD800  }
0xf1: {  	_ =	swait.ge [sflag:s6], $0x50  }
0xf2: {  	[sflag:s6] =	ssyncset.done $0x0  }
0xf3: {  	[sflag:s6] =	ssyncadd.s32 $0xFFFFFFB0  }
0xf4: {  	[spmem:s3] =	stream.indirect.scatter.add.f32 [tilespmem:s26], [sflag:$0xF], $0x80, s17, s21, $0xb8;
	[tilespmem:$0x1E400] =	vst v63  }
0xf5: {  	_ =	swait.ge [sflag:s8], $0x2800  }
0xf6: {  	[sflag:s8] =	ssyncset.done $0x0  }
0xf7: {  	[sflag:s8] =	ssyncadd.s32 $0xFFFFD800  }
0xf8: {  	_ =	swait.ge [sflag:s9], $0x50  }
0xf9: {  	[sflag:s9] =	ssyncset.done $0x0  }
0xfa: {  	s14 =	simm.s32 $0xD;
	[sflag:s9] =	ssyncadd.s32 $0xFFFFFFB0  }
0xfb: {  	[spmem:s3] =	stream.indirect.scatter.add.f32 [tilespmem:s29], [sflag:$0x10], $0x80, s18, s21, $0xb8;
	[tilespmem:$0x1E400] =	vst v63  }
0xfc: {  	_ =	swait.ge [sflag:s14], $0x2800  }
0xfd: {  	[sflag:s14] =	ssyncset.done $0x0  }
0xfe: {  	s15 =	simm.s32 $0xE;
	[sflag:s14] =	ssyncadd.s32 $0xFFFFD800  }
0xff: {  	_ =	swait.ge [sflag:s15], $0x2800  }
0x100: {  	[sflag:s15] =	ssyncset.done $0x0  }
0x101: {  	s16 =	simm.s32 $0xF;
	[sflag:s15] =	ssyncadd.s32 $0xFFFFD800  }
0x102: {  	_ =	swait.ge [sflag:s16], $0x2800  }
0x103: {  	[sflag:s16] =	ssyncset.done $0x0  }
0x104: {  	s18 =	simm.s32 $0x10;
	[sflag:s16] =	ssyncadd.s32 $0xFFFFD800  }
0x105: {  	_ =	swait.ge [sflag:s18], $0x2800  }
0x106: {  	[sflag:s18] =	ssyncset.done $0x0  }
0x107: {  	s10 =	rddreg [dreg:$0xf];
	[sflag:s18] =	ssyncadd.s32 $0xFFFFD800  }
0x108: {  	[tilespmem:s4], [sflag:$0x11] =	stream.linear.gather [hbm4b:s10+s4], $0x50, $0x38;
	[tilespmem:$0x1E400] =	vst v63  }
0x109: {  	s10 =	simm.s32 $0x11  }
0x10a: {  	_ =	swait.ge [sflag:s10], $0x50  }
0x10b: {  	[sflag:s10] =	ssyncset.done $0x0  }
0x10c: {  	s11 =	rddreg [dreg:$0x10];
	[sflag:s10] =	ssyncadd.s32 $0xFFFFFFB0  }
0x10d: {  	[tilespmem:s13], [sflag:$0x11] =	stream.linear.gather [hbm4b:s11+s4], $0x50, $0x38;
	[tilespmem:$0x1E400] =	vst v63  }
0x10e: {  	_ =	swait.ge [sflag:s10], $0x50  }
0x10f: {  	[sflag:s10] =	ssyncset.done $0x0  }
0x110: {  	[sflag:s10] =	ssyncadd.s32 $0xFFFFFFB0  }
0x111: {  	[tilespmem:s12], [sflag:$0x11] =	stream.indirect.gather [hbm4b:s2+s21], $0x80, s4, s21, $0xb8;
	[tilespmem:$0x1E400] =	vst v63  }
0x112: {  	_ =	swait.ge [sflag:s10], $0x2800  }
0x113: {  	[sflag:s10] =	ssyncset.done $0x0  }
0x114: {  	[sflag:s10] =	ssyncadd.s32 $0xFFFFD800  }
0x115: {  	[spmem:s3] =	stream.indirect.scatter.add.f32 [tilespmem:s12], [sflag:$0x11], $0x80, s13, s21, $0xb8;
	[tilespmem:$0x1E400] =	vst v63  }
0x116: {  	_ =	swait.ge [sflag:s10], $0x2800  }
0x117: {  	[sflag:s10] =	ssyncset.done $0x0  }
0x118: {  	[sflag:s10] =	ssyncadd.s32 $0xFFFFD800  }
0x119: {  	[bflag:$0x0] =	sbarrier.arrive $0xFFFF  }
0x11a: {  	s12 =	rddreg [dreg:$0xe]  }
0x11b: {  	s14 =	rddreg [dreg:$0x11]  }
0x11c: {  	s15 =	rddreg [dreg:$0x14]  }
0x11d: {  	[hbm:s14], [sflag:s12] =	dma.local [spmem:s15], $0x2800  }
0x11e: {  	_ =	swait.ge [sflag:s10], $0x2800  }
0x11f: {  	s16 =	rddreg [dreg:$0x13]  }
0x120: {  	s18 =	rddreg [dreg:$0x12];
	s11 =	sadd.s32 $0x1, s16  }
0x121: {  	p0 =	sne.s32 s11, s18  }
.Ltmp1:
0x122: {  	_ = 	snop;
	(pc) =	sbr.rel @p0 .LBB2_1-.Ltmp1, $3  }
0x123: {  	_ =	sdelay $0x1  }
0x124: {  	[sflag:s10] =	ssyncset.done $0x0  }
0x125: {  	s17 =	simm.s32 $0x380;
	[sflag:s10] =	ssyncadd.s32 $0xFFFFD800  }
0x126: {  	_ =	sfence.sel $0x180000  }
0x127: {  	[bflag:$0x0] =	sbarrier.arrive $0xFFFF  }
0x128: {  	_ =	strace $0x9000004A  }
0x129: {  	s0 =	stileid.u32;
	[bflag:$0x2] =	sbarrier.arrive $0xFFFF  }
0x12a: {  	p0 =	sne.s32 s0, $0x0;
	s0 =	rddreg [dreg:$0x3]  }
0x12b: {  	s0 =	sadd.s32 @!p0 $0x100000, s0  }
0x12c: {  	[sflag:s0] =	ssyncadd.tile.s32 @!p0 $0x1;
	_ =	shalt  }
.Lfunc_end2:
_tile_overlayer_lowered:
.L_overlay_start_2:
0x12d: {  	(tag) =	ssettag $0x2  }
0x12e: {  	s0 =	rddreg [dreg:$0x0];
	s2 =	stileid.u32  }
0x12f: {  	s1 =	rddreg [dreg:$0x1];
	p0 =	sne.s32 s2, $0x0  }
0x130: {  	s3 =	rddreg [dreg:$0x2];
	[bflag:$0x3] =	sbarrier.arrive $0xFFFF;
	s2 =	simm.s32 @!p0 $0x1C11  }
0x131: {  	[timem:s3], [sflag:s2] =	dma.local @!p0 [hbm:s0], s1  }
0x132: {  	s0 =	simm.s32 @!p0 $0x11  }
0x133: {  	_ =	swait.ge @!p0 [sflag:s0], s1  }
0x134: {  	s1 =	ssub.s32 @!p0 $0x0, s1;
	[sflag:s0] =	ssyncset.done @!p0 $0x0  }
0x135: {  	[sflag:s0] =	ssyncadd.s32 @!p0 s1  }
0x136: {  	[bflag:$0x3] =	sbarrier.arrive $0xFFFF  }
0x137: {  	_ =	shalt  }

// kernel: kernel.7.cloned.1.call-start
scs
__scs_entry_jumppad:
0x0: {  	(pc) =	sbr.rel $0x88, $3  }
0x1: {  	(tag) =	ssettag $0x0;
	lr =	simm.s32 $0x1  }
0x2: {  	[smem:$0x3F9D] =	sst lr;
	_ =	strace $0xD0000000  }
0x3: {  	_ = 	snop  }
0x4: {  	_ = 	snop  }
0x5: {  	_ = 	snop  }
0x6: {  	_ = 	snop  }
0x7: {  	_ = 	snop  }
__scs_overlays_trampoline_lowered:
0x8: {  	[smem:$0x3FAC] =	sst s0  }
0x9: {  	[smem:$0x3FAD] =	sst s1  }
0xa: {  	[smem:$0x3FAE] =	sst s2  }
0xb: {  	[smem:$0x3FAF] =	sst s3  }
0xc: {  	[smem:$0x3FB0] =	sst s4  }
0xd: {  	[smem:$0x3FB1] =	sst s5  }
0xe: {  	[smem:$0x3FB2] =	sst s6  }
0xf: {  	[smem:$0x3FB3] =	sst s7  }
0x10: {  	[smem:$0x3FB4] =	sst s8  }
0x11: {  	[smem:$0x3FB5] =	sst s9;
	s0 =	simm.s32 @!p0 $0x0  }
0x12: {  	s1 =	sld [smem:$0x3F9B];
	s0 =	simm.s32 @p0 $0x1  }
0x13: {  	[smem:$0x3FB6] =	sst s0;
	s0 =	simm.s32 @!p1 $0x0  }
0x14: {  	s2 =	sld [smem:$0x3F9A];
	s0 =	simm.s32 @p1 $0x1  }
0x15: {  	[smem:$0x3FB7] =	sst s0;
	s0 =	simm.s32 @!p2 $0x0  }
0x16: {  	s3 =	sld [smem:$0x3FDB];
	s0 =	simm.s32 @p2 $0x1  }
0x17: {  	s4 =	simm.s32 $0x1BF5;
	[smem:$0x3FB9] =	sst s0  }
0x18: {  	s0 =	sld [smem:$0x3F9C];
	_ =	swait.ge [sflag:s4], $0x0  }
0x19: {  	s7 =	sld [smem:$0x3F9D]  }
0x1a: {  	s8 =	sadd.s32 $0xFFFFE003, lr  }
0x1b: {  	s9 =	sadd.s32 $0xFFFFFEF7, lr;
	s5 =	simm.s32 $0xFFFFFFFF;
	p2 =	slt.u32 s8, $0xFFFFF086  }
0x1c: {  	p1 =	slt.u32 s9, $0xF7A;
	s5 =	simm.s32 @!p2 $0x0  }
0x1d: {  	s5 =	simm.s32 @p1 $0x1;
	p0 =	seq.s32 s7, s2  }
0x1e: {  	s7 =	smul.u32 @!p0 $0xF7A, s2;
	p2 =	seq.s32 @!p0 s5, $0x0  }
0x1f: {  	s9 =	smul.u32 $0xF7A, s1;
	s8 =	simm.s32 @!p0 $0x1BF5;
	p2 =	por !p2, p0  }
0x20: {  	[sflag:s8] =	ssyncset.s32 @!p0 $0xFFFFF086;
	s6 =	sadd.s32 @!p0 s3, s7;
	s7 =	simm.s32 @!p0 $0x108  }
0x21: {  	s3 =	sadd.s32 s3, s9;
	s6 =	sadd.s32 @!p0 $0x88, s6;
	s7 =	simm.s32 @p2 $0x1082  }
0x22: {  	[simem:s7], [sflag:s8] =	dma.local @!p0 [hbm:s6], $0xF7A  }
0x23: {  	s9 =	sor.u32 $0xD0000000, s2;
	s6 =	simm.s32 $0x108;
	_ =	swait.ge @!p0 [sflag:s8], $0x0  }
0x24: {  	s3 =	sadd.s32 $0x88, s3;
	s6 =	simm.s32 @!p1 $0x1082;
	[sflag:s4] =	ssyncset.s32 $0xFFFFF086  }
0x25: {  	[simem:s6], [sflag:s4] =	dma.local [hbm:s3], $0xF7A  }
0x26: {  	[smem:$0x3F9D] =	sst s1;
	(tag) =	ssettag s2;
	_ =	strace s9  }
0x27: {  	s1 =	sld [smem:$0x3FAD]  }
0x28: {  	s2 =	sld [smem:$0x3FAE]  }
0x29: {  	s4 =	sld [smem:$0x3FB0]  }
0x2a: {  	p0 =	seq.s32 s5, $0x0;
	s5 =	sld [smem:$0x3FB1]  }
0x2b: {  	s6 =	sld [smem:$0x3FB2]  }
0x2c: {  	s7 =	sld [smem:$0x3FB3]  }
0x2d: {  	s3 =	simm.s32 $0x108;
	s8 =	sld [smem:$0x3FB4]  }
0x2e: {  	s3 =	simm.s32 @!p0 $0x1082;
	s9 =	sld [smem:$0x3FB5]  }
0x2f: {  	lr =	sadd.s32 s0, s3;
	s0 =	sld [smem:$0x3FAC]  }
0x30: {  	s3 =	sld [smem:$0x3FAF]  }
0x31: {  	[smem:$0x3FB8] =	sst s10  }
0x32: {  	s10 =	sld [smem:$0x3FB6];
	_ =	sdelay $0x3  }
0x33: {  	p0 =	seq.s32 s10, $0x1;
	s10 =	sld [smem:$0x3FB8];
	_ =	sdelay $0x3  }
0x34: {  	[smem:$0x3FB8] =	sst s10  }
0x35: {  	s10 =	sld [smem:$0x3FB7];
	_ =	sdelay $0x3  }
0x36: {  	p1 =	seq.s32 s10, $0x1;
	s10 =	sld [smem:$0x3FB8];
	_ =	sdelay $0x3  }
0x37: {  	[smem:$0x3FB8] =	sst s10  }
0x38: {  	s10 =	sld [smem:$0x3FB9]  }
0x39: {  	_ = 	snop;
	(pc) =	sbr.ind lr, $3  }
0x3a: {  	_ = 	snop  }
0x3b: {  	_ = 	snop  }
0x3c: {  	p2 =	seq.s32 s10, $0x1;
	s10 =	sld [smem:$0x3FB8]  }
0x3d: {  	_ =	shalt  }
0x3e: {  	_ =	shalt  }
0x3f: {  	_ =	shalt  }
0x40: {  	_ =	shalt  }
0x41: {  	_ =	shalt  }
0x42: {  	_ =	shalt  }
0x43: {  	_ =	shalt  }
0x44: {  	_ =	shalt  }
0x45: {  	_ =	shalt  }
0x46: {  	_ =	shalt  }
0x47: {  	_ =	shalt  }
0x48: {  	_ =	shalt  }
0x49: {  	_ =	shalt  }
0x4a: {  	_ =	shalt  }
0x4b: {  	_ =	shalt  }
0x4c: {  	_ =	shalt  }
0x4d: {  	_ =	shalt  }
0x4e: {  	_ =	shalt  }
0x4f: {  	_ =	shalt  }
0x50: {  	_ =	shalt  }
0x51: {  	_ =	shalt  }
0x52: {  	_ =	shalt  }
0x53: {  	_ =	shalt  }
0x54: {  	_ =	shalt  }
0x55: {  	_ =	shalt  }
0x56: {  	_ =	shalt  }
0x57: {  	_ =	shalt  }
0x58: {  	_ =	shalt  }
0x59: {  	_ =	shalt  }
0x5a: {  	_ =	shalt  }
0x5b: {  	_ =	shalt  }
0x5c: {  	_ =	shalt  }
0x5d: {  	_ =	shalt  }
0x5e: {  	_ =	shalt  }
0x5f: {  	_ =	shalt  }
0x60: {  	_ =	shalt  }
0x61: {  	_ =	shalt  }
0x62: {  	_ =	shalt  }
0x63: {  	_ =	shalt  }
0x64: {  	_ =	shalt  }
0x65: {  	_ =	shalt  }
0x66: {  	_ =	shalt  }
0x67: {  	_ =	shalt  }
0x68: {  	_ =	shalt  }
0x69: {  	_ =	shalt  }
0x6a: {  	_ =	shalt  }
0x6b: {  	_ =	shalt  }
0x6c: {  	_ =	shalt  }
0x6d: {  	_ =	shalt  }
0x6e: {  	_ =	shalt  }
0x6f: {  	_ =	shalt  }
0x70: {  	_ =	shalt  }
0x71: {  	_ =	shalt  }
0x72: {  	_ =	shalt  }
0x73: {  	_ =	shalt  }
0x74: {  	_ =	shalt  }
0x75: {  	_ =	shalt  }
0x76: {  	_ =	shalt  }
0x77: {  	_ =	shalt  }
0x78: {  	_ =	shalt  }
0x79: {  	_ =	shalt  }
0x7a: {  	_ =	shalt  }
0x7b: {  	_ =	shalt  }
0x7c: {  	_ =	shalt  }
0x7d: {  	_ =	shalt  }
0x7e: {  	_ =	shalt  }
0x7f: {  	_ =	shalt  }
0x80: {  	_ =	shalt  }
0x81: {  	_ =	shalt  }
0x82: {  	_ =	shalt  }
0x83: {  	_ =	shalt  }
0x84: {  	_ =	shalt  }
0x85: {  	_ =	shalt  }
0x86: {  	_ =	shalt  }
0x87: {  	_ =	shalt  }
.Lfunc_end0:
.L_simem_size_0:
called_computation_lowered:
.L_overlay_start_0:
0x88: {  	s2 =	sld [smem:$0x3FD9]  }
0x89: {  	s3 =	sld [smem:$0x3FFE];
	_ =	sdelay $0x1  }
0x8a: {  	s1 =	srdreg.scid  }
0x8b: {  	s0 =	sand.u32 $0x1, s1  }
0x8c: {  	s17 =	sshll.u32 s0, $0xA;
	s2 =	sadd.s32 s3, s2  }
0x8d: {  	s2 =	sadd.s32 s2, s17  }
0x8e: {  	[smem:$0x3FC4] =	sst s2  }
0x8f: {  	_ = 	snop  }
0x90: {  	s2 =	sld [smem:$0x3FD0];
	(tm) =	ssettm $0x1  }
0x91: {  	s18 =	sld [smem:$0x3FFB];
	_ =	sdelay $0x3  }
0x92: {  	_ =	strace s18  }
0x93: {  	s3 =	sld [smem:$0x3FFC];
	_ =	sdelay $0x3  }
0x94: {  	_ =	strace s3  }
0x95: {  	s3 =	sld [smem:$0x3FFD];
	_ =	sdelay $0x3  }
0x96: {  	_ =	strace s3  }
0x97: {  	_ =	strace $0x8FFFFFFF  }
0x98: {  	s19 =	sld [smem:$0x3FDB];
	_ =	sdelay $0x1  }
0x99: {  	s4 =	simm.s32 $_scs_section_size  }
0x9a: {  	s5 =	simm.s32 $_size__tile_overlayer_lowered;
	s6 =	simm.s32 $_tile_overlayer_lowered  }
0x9b: {  	s22 =	simm.s32 $0x1BFF;
	s21 =	sshll.u32 s6, $0x1;
	s3 =	sadd.s32 s4, s19  }
0x9c: {  	s7 =	simm.s32 $0x0;
	s20 =	sshll.u32 s5, $0x1;
	s5 =	sadd.s32 s21, s3  }
0x9d: {  	[timem:s7], [sflag:s22] =	dma.local [hbm:s5], s20  }
0x9e: {  	_ =	swait.ge [sflag:s22], s20  }
0x9f: {  	s4 =	ssub.s32 $0x0, s20;
	[sflag:s22] =	ssyncset.done $0x0  }
0xa0: {  	[sflag:s22] =	ssyncadd.s32 s4;
	_ =	sdelay $0x1  }
0xa1: {  	s23 =	simm.s32 $0x1B8B  }
0xa2: {  	_ =	swait.ge [sflag:s23], $0x1  }
0xa3: {  	[sflag:s23] =	ssyncset.done $0x0  }
0xa4: {  	s25 =	simm.s32 $0x1B8E;
	s24 =	sld [smem:$0x3FFE];
	[sflag:s23] =	ssyncadd.s32 $0xFFFFFFFF  }
0xa5: {  	s26 =	simm.s32 $execute0_lowered;
	[smem:$0x3FD2] =	sst s25  }
0xa6: {  	s5 =	sshll.u32 s26, $0x1;
	_ =	strace $0x80000046;
	[dreg:$0x1] =	wrdreg $0xFFFFFFFF  }
0xa7: {  	s28 =	simm.s32 $_size_execute0_lowered;
	s3 =	sadd.s32 s3, s5;
	[dreg:$0x0] =	wrdreg $0x0  }
0xa8: {  	s5 =	sshll.u32 s28, $0x1;
	[dreg:$0x2] =	wrdreg s3  }
0xa9: {  	[dreg:$0x3] =	wrdreg s5  }
0xaa: {  	[dreg:$0x4] =	wrdreg $0xC0  }
0xab: {  	_ =	task [dreg:s7], $0x5FFFF  }
0xac: {  	[dreg:$0x1] =	wrdreg $0xFFFFFFFF  }
0xad: {  	[dreg:$0x0] =	wrdreg $0x60  }
0xae: {  	[dreg:$0x2] =	wrdreg s2  }
0xaf: {  	[dreg:$0x3] =	wrdreg s24  }
0xb0: {  	[dreg:$0x4] =	wrdreg $0x40800  }
0xb1: {  	[dreg:$0x5] =	wrdreg $0x9  }
0xb2: {  	_ =	task.clear_ibuf [dreg:s7], $0x6FFFF;
	_ =	strace $0x90000046  }
0xb3: {  	s29 =	simm.s32 $0x9;
	_ =	strace $0x80000048  }
0xb4: {  	_ =	swait.ge [sflag:s29], $0x1  }
0xb5: {  	[sflag:s29] =	ssyncadd.s32 $0xFFFFFFFF  }
0xb6: {  	_ =	strace $0x90000048  }
0xb7: {  	_ =	sfence  }
0xb8: {  	s30 =	sld [smem:$0x0];
	_ =	sdelay $0x2  }
0xb9: {  	s31 =	sshll.u32 s1, $0xD;
	s1 =	sshrl.u32 s1, $0x2  }
0xba: {  	s3 =	sand.u32 $0x4000, s31;
	s1 =	sadd.s32 s1, s30  }
0xbb: {  	s0 =	sor.u32 s3, s0;
	s1 =	sshll.u32 s1, $0x11  }
0xbc: {  	s0 =	sor.u32 s1, s0  }
0xbd: {  	s0 =	sadd.s32 $0x8F2B, s0  }
0xbe: {  	[sflag:s0] =	ssyncadd.remote.s32 $0x1  }
0xbf: {  	_ =	sfence.sel $0xFFFF  }
0xc0: {  	[dreg:$0x0] =	wrdreg $0xFFFFFFFF;
	(pc) =	sbr.abs _section_cstart, $3  }
0xc1: {  	[dreg:$0x1] =	wrdreg $0xFFFFFFFF  }
0xc2: {  	_ =	task.clear_ibuf [dreg:s7], $0x2FFFF;
	_ =	strace $0x9FFFFFFF  }
0xc3: {  	(tm) =	ssettm $0x7FFFFFFF  }
tec
execute0_lowered:
.L_overlay_start_1:
0x0: {  	(tag) =	ssettag $0x1  }
0x1: {  	s0 =	rddreg [dreg:$0x0]  }
0x2: {  	s10 =	stileid.u32;
	s4 =	rddreg [dreg:$0x1]  }
0x3: {  	s1 =	srdreg.scid;
	s2 =	rddreg [dreg:$0x2]  }
0x4: {  	s3 =	simm.s32 $0x0;
	s11 =	simm.s32 $0x50;
	s12 =	simm.s32 $0x4000  }
0x5: {  	s17 =	simm.s32 $0x280;
	s18 =	simm.s32 $0x300;
	s19 =	simm.s32 $0x380  }
0x6: {  	s20 =	simm.s32 $0x1;
	s21 =	simm.s32 $0x2;
	s22 =	simm.s32 $0x3  }
0x7: {  	s28 =	simm.s32 $0x8;
	s29 =	simm.s32 $0x3C00;
	s30 =	simm.s32 $0x3C80  }
0x8: {  	s31 =	simm.s32 $0x3D00;
	s13 =	simm.s32 $0x0;
	s5 =	smul.u32 $0x280, s10  }
0x9: {  	s1 =	sand.u32 $0x1, s1;
	[smem:$0x7FF] =	sst s3;
	s9 =	sshll.u32 s10, $0xC  }
0xa: {  	s26 =	sshll.u32 s10, $0x6;
	s6 =	smul.u32 $0x2800, s1;
	_ =	strace $0x80000047  }
0xb: {  	s23 =	ssub.s32 $0x2, s1;
	s1 =	sshll.u32 s1, $0xB;
	s7 =	sshrl.u32 s5, $0x3  }
0xc: {  	s8 =	sshrl.u32 s23, $0x1;
	s0 =	sadd.s32 s0, s1;
	s25 =	sadd.s32 s5, s2  }
0xd: {  	s1 =	simm.s32 $0x3D80;
	s6 =	sadd.s32 s5, s6;
	s7 =	sadd.s32 s7, s4  }
0xe: {  	s24 =	ssub.s32 s23, s8;
	s8 =	simm.s32 $0x9;
	s10 =	sshrl.u32 s25, $0x3  }
0xf: {  	s23 =	simm.s32 $0x4;
	s25 =	simm.s32 $0x6;
	s6 =	sshrl.u32 s6, $0x3  }
0x10: {  	s5 =	sadd.s32 $0x15200, s7;
	s7 =	smax.u32 s24, $0x1;
	s24 =	simm.s32 $0x5  }
0x11: {  	s6 =	sadd.s32 s6, s4;
	s4 =	sadd.s32 s9, s0;
	s9 =	sor.u32 $0x1C09, s26  }
0x12: {  	v0 =	vimm.f32 $1.000000000e+00;
	s26 =	simm.s32 $0x7;
	s0 =	simm.s32 $0x3E00;
	s6 =	sadd.s32 $0x15800, s6  }
.LBB2_1:
0x13: {  	[tilespmem:$0x4000] =	vst v0  }
0x14: {  	[tilespmem:$0x4010] =	vst v0  }
0x15: {  	[tilespmem:$0x4020] =	vst v0  }
0x16: {  	[tilespmem:$0x4030] =	vst v0  }
0x17: {  	[tilespmem:$0x4040] =	vst v0  }
0x18: {  	[tilespmem:s3], [sflag:$0x9] =	stream.linear.gather [hbm4b:s4+s3], $0x3E80, $0x38;
	[tilespmem:$0x4300] =	vst v63  }
0x19: {  	_ =	swait.ge [sflag:s8], $0x3E80  }
0x1a: {  	[sflag:s8] =	ssyncset.done $0x0  }
0x1b: {  	[sflag:s8] =	ssyncadd.s32 $0xFFFFC180  }
0x1c: {  	[spmem:s10], [sflag:s9] =	dma.local [hbm:s5], $0x50  }
0x1d: {  	_ =	swait.ge [sflag:s8], $0x50  }
0x1e: {  	[sflag:s8] =	ssyncset.done $0x0  }
0x1f: {  	[sflag:s8] =	ssyncadd.s32 $0xFFFFFFB0  }
0x20: {  	[bflag:$0x0] =	sbarrier.arrive $0xFFFF  }
0x21: {  	[spmem:s2] =	stream.indirect.scatter.add.f32 [tilespmem:s12], [sflag:$0x1], $0x1, s3, s11, $0xb8;
	[tilespmem:$0x4300] =	vst v63  }
0x22: {  	s14 =	simm.s32 $0x80  }
0x23: {  	[spmem:s2] =	stream.indirect.scatter.add.f32 [tilespmem:s12], [sflag:$0x2], $0x1, s14, s11, $0xb8;
	[tilespmem:$0x4300] =	vst v63  }
0x24: {  	s15 =	simm.s32 $0x100  }
0x25: {  	[spmem:s2] =	stream.indirect.scatter.add.f32 [tilespmem:s12], [sflag:$0x3], $0x1, s15, s11, $0xb8;
	[tilespmem:$0x4300] =	vst v63  }
0x26: {  	s16 =	simm.s32 $0x180  }
0x27: {  	[spmem:s2] =	stream.indirect.scatter.add.f32 [tilespmem:s12], [sflag:$0x4], $0x1, s16, s11, $0xb8;
	[tilespmem:$0x4300] =	vst v63  }
0x28: {  	s15 =	simm.s32 $0x200  }
0x29: {  	[spmem:s2] =	stream.indirect.scatter.add.f32 [tilespmem:s12], [sflag:$0x5], $0x1, s15, s11, $0xb8;
	[tilespmem:$0x4300] =	vst v63  }
0x2a: {  	_ = 	snop  }
0x2b: {  	[spmem:s2] =	stream.indirect.scatter.add.f32 [tilespmem:s12], [sflag:$0x6], $0x1, s17, s11, $0xb8;
	[tilespmem:$0x4300] =	vst v63  }
0x2c: {  	_ = 	snop  }
0x2d: {  	[spmem:s2] =	stream.indirect.scatter.add.f32 [tilespmem:s12], [sflag:$0x7], $0x1, s18, s11, $0xb8;
	[tilespmem:$0x4300] =	vst v63  }
0x2e: {  	_ = 	snop  }
0x2f: {  	[spmem:s2] =	stream.indirect.scatter.add.f32 [tilespmem:s12], [sflag:$0x8], $0x1, s19, s11, $0xb8;
	[tilespmem:$0x4300] =	vst v63  }
0x30: {  	_ =	swait.ge [sflag:s20], $0x50  }
0x31: {  	[sflag:s20] =	ssyncset.done $0x0  }
0x32: {  	s16 =	simm.s32 $0x400;
	[sflag:s20] =	ssyncadd.s32 $0xFFFFFFB0  }
0x33: {  	[spmem:s2] =	stream.indirect.scatter.add.f32 [tilespmem:s12], [sflag:$0x1], $0x1, s16, s11, $0xb8;
	[tilespmem:$0x4300] =	vst v63  }
0x34: {  	_ =	swait.ge [sflag:s21], $0x50  }
0x35: {  	[sflag:s21] =	ssyncset.done $0x0  }
0x36: {  	s15 =	simm.s32 $0x480;
	[sflag:s21] =	ssyncadd.s32 $0xFFFFFFB0  }
0x37: {  	[spmem:s2] =	stream.indirect.scatter.add.f32 [tilespmem:s12], [sflag:$0x2], $0x1, s15, s11, $0xb8;
	[tilespmem:$0x4300] =	vst v63  }
0x38: {  	_ =	swait.ge [sflag:s22], $0x50  }
0x39: {  	[sflag:s22] =	ssyncset.done $0x0  }
0x3a: {  	s16 =	simm.s32 $0x500;
	[sflag:s22] =	ssyncadd.s32 $0xFFFFFFB0  }
0x3b: {  	[spmem:s2] =	stream.indirect.scatter.add.f32 [tilespmem:s12], [sflag:$0x3], $0x1, s16, s11, $0xb8;
	[tilespmem:$0x4300] =	vst v63  }
0x3c: {  	_ =	swait.ge [sflag:s23], $0x50  }
0x3d: {  	[sflag:s23] =	ssyncset.done $0x0  }
0x3e: {  	s15 =	simm.s32 $0x580;
	[sflag:s23] =	ssyncadd.s32 $0xFFFFFFB0  }
0x3f: {  	[spmem:s2] =	stream.indirect.scatter.add.f32 [tilespmem:s12], [sflag:$0x4], $0x1, s15, s11, $0xb8;
	[tilespmem:$0x4300] =	vst v63  }
0x40: {  	_ =	swait.ge [sflag:s24], $0x50  }
0x41: {  	[sflag:s24] =	ssyncset.done $0x0  }
0x42: {  	s16 =	simm.s32 $0x600;
	[sflag:s24] =	ssyncadd.s32 $0xFFFFFFB0  }
0x43: {  	[spmem:s2] =	stream.indirect.scatter.add.f32 [tilespmem:s12], [sflag:$0x5], $0x1, s16, s11, $0xb8;
	[tilespmem:$0x4300] =	vst v63  }
0x44: {  	_ =	swait.ge [sflag:s25], $0x50  }
0x45: {  	[sflag:s25] =	ssyncset.done $0x0  }
0x46: {  	s15 =	simm.s32 $0x680;
	[sflag:s25] =	ssyncadd.s32 $0xFFFFFFB0  }
0x47: {  	[spmem:s2] =	stream.indirect.scatter.add.f32 [tilespmem:s12], [sflag:$0x6], $0x1, s15, s11, $0xb8;
	[tilespmem:$0x4300] =	vst v63  }
0x48: {  	_ =	swait.ge [sflag:s26], $0x50  }
0x49: {  	[sflag:s26] =	ssyncset.done $0x0  }
0x4a: {  	s16 =	simm.s32 $0x700;
	[sflag:s26] =	ssyncadd.s32 $0xFFFFFFB0  }
0x4b: {  	[spmem:s2] =	stream.indirect.scatter.add.f32 [tilespmem:s12], [sflag:$0x7], $0x1, s16, s11, $0xb8;
	[tilespmem:$0x4300] =	vst v63  }
0x4c: {  	_ =	swait.ge [sflag:s28], $0x50  }
0x4d: {  	[sflag:s28] =	ssyncset.done $0x0  }
0x4e: {  	s14 =	simm.s32 $0x1000;
	s15 =	simm.s32 $0x780;
	[sflag:s28] =	ssyncadd.s32 $0xFFFFFFB0  }
.LBB2_2:
0x4f: {  	[spmem:s2] =	stream.indirect.scatter.add.f32 [tilespmem:s12], [sflag:$0x8], $0x1, s15, s11, $0xb8;
	[tilespmem:$0x4300] =	vst v63  }
0x50: {  	s15 =	smov.u32 s14  }
0x51: {  	p0 =	sne.s32 s14, $0xD000;
	s14 =	sadd.s32 $0x1000, s14;
	_ =	swait.ge [sflag:s20], $0x50  }
0x52: {  	s15 =	sshra.s32 s15, $0x2;
	[sflag:s20] =	ssyncset.done $0x0  }
0x53: {  	s16 =	sadd.s32 $0x400, s15;
	[sflag:s20] =	ssyncadd.s32 $0xFFFFFFB0  }
0x54: {  	[spmem:s2] =	stream.indirect.scatter.add.f32 [tilespmem:s12], [sflag:$0x1], $0x1, s16, s11, $0xb8;
	[tilespmem:$0x4300] =	vst v63  }
0x55: {  	_ =	swait.ge [sflag:s21], $0x50  }
0x56: {  	[sflag:s21] =	ssyncset.done $0x0  }
0x57: {  	s16 =	sadd.s32 $0x480, s15;
	[sflag:s21] =	ssyncadd.s32 $0xFFFFFFB0  }
0x58: {  	[spmem:s2] =	stream.indirect.scatter.add.f32 [tilespmem:s12], [sflag:$0x2], $0x1, s16, s11, $0xb8;
	[tilespmem:$0x4300] =	vst v63  }
0x59: {  	_ =	swait.ge [sflag:s22], $0x50  }
0x5a: {  	[sflag:s22] =	ssyncset.done $0x0  }
0x5b: {  	s16 =	sadd.s32 $0x500, s15;
	[sflag:s22] =	ssyncadd.s32 $0xFFFFFFB0  }
0x5c: {  	[spmem:s2] =	stream.indirect.scatter.add.f32 [tilespmem:s12], [sflag:$0x3], $0x1, s16, s11, $0xb8;
	[tilespmem:$0x4300] =	vst v63  }
0x5d: {  	_ =	swait.ge [sflag:s23], $0x50  }
0x5e: {  	[sflag:s23] =	ssyncset.done $0x0  }
0x5f: {  	s16 =	sadd.s32 $0x580, s15;
	[sflag:s23] =	ssyncadd.s32 $0xFFFFFFB0  }
0x60: {  	[spmem:s2] =	stream.indirect.scatter.add.f32 [tilespmem:s12], [sflag:$0x4], $0x1, s16, s11, $0xb8;
	[tilespmem:$0x4300] =	vst v63  }
0x61: {  	_ =	swait.ge [sflag:s24], $0x50  }
0x62: {  	[sflag:s24] =	ssyncset.done $0x0  }
0x63: {  	s16 =	sadd.s32 $0x600, s15;
	[sflag:s24] =	ssyncadd.s32 $0xFFFFFFB0  }
0x64: {  	[spmem:s2] =	stream.indirect.scatter.add.f32 [tilespmem:s12], [sflag:$0x5], $0x1, s16, s11, $0xb8;
	[tilespmem:$0x4300] =	vst v63  }
0x65: {  	_ =	swait.ge [sflag:s25], $0x50  }
0x66: {  	[sflag:s25] =	ssyncset.done $0x0  }
0x67: {  	s16 =	sadd.s32 $0x680, s15;
	[sflag:s25] =	ssyncadd.s32 $0xFFFFFFB0  }
0x68: {  	[spmem:s2] =	stream.indirect.scatter.add.f32 [tilespmem:s12], [sflag:$0x6], $0x1, s16, s11, $0xb8;
	[tilespmem:$0x4300] =	vst v63  }
0x69: {  	_ =	swait.ge [sflag:s26], $0x50  }
0x6a: {  	[sflag:s26] =	ssyncset.done $0x0  }
.Ltmp0:
0x6b: {  	s16 =	sadd.s32 $0x700, s15;
	[sflag:s26] =	ssyncadd.s32 $0xFFFFFFB0;
	(pc) =	sbr.rel @p0 .LBB2_2-.Ltmp0, $4  }
0x6c: {  	[spmem:s2] =	stream.indirect.scatter.add.f32 [tilespmem:s12], [sflag:$0x7], $0x1, s16, s11, $0xb8;
	[tilespmem:$0x4300] =	vst v63  }
0x6d: {  	_ =	swait.ge [sflag:s28], $0x50  }
0x6e: {  	[sflag:s28] =	ssyncset.done $0x0  }
0x6f: {  	s15 =	sadd.s32 $0x780, s15;
	[sflag:s28] =	ssyncadd.s32 $0xFFFFFFB0  }
0x70: {  	[spmem:s2] =	stream.indirect.scatter.add.f32 [tilespmem:s12], [sflag:$0x8], $0x1, s15, s11, $0xb8;
	[tilespmem:$0x4300] =	vst v63  }
0x71: {  	_ =	swait.ge [sflag:s20], $0x50  }
0x72: {  	[sflag:s20] =	ssyncset.done $0x0  }
0x73: {  	[sflag:s20] =	ssyncadd.s32 $0xFFFFFFB0  }
0x74: {  	_ =	swait.ge [sflag:s21], $0x50  }
0x75: {  	[sflag:s21] =	ssyncset.done $0x0  }
0x76: {  	[sflag:s21] =	ssyncadd.s32 $0xFFFFFFB0  }
0x77: {  	_ =	swait.ge [sflag:s22], $0x50  }
0x78: {  	[sflag:s22] =	ssyncset.done $0x0  }
0x79: {  	[sflag:s22] =	ssyncadd.s32 $0xFFFFFFB0  }
0x7a: {  	_ =	swait.ge [sflag:s23], $0x50  }
0x7b: {  	[sflag:s23] =	ssyncset.done $0x0  }
0x7c: {  	[sflag:s23] =	ssyncadd.s32 $0xFFFFFFB0  }
0x7d: {  	_ =	swait.ge [sflag:s24], $0x50  }
0x7e: {  	[sflag:s24] =	ssyncset.done $0x0  }
0x7f: {  	[sflag:s24] =	ssyncadd.s32 $0xFFFFFFB0  }
0x80: {  	_ =	swait.ge [sflag:s25], $0x50  }
0x81: {  	[sflag:s25] =	ssyncset.done $0x0  }
0x82: {  	[sflag:s25] =	ssyncadd.s32 $0xFFFFFFB0  }
0x83: {  	_ =	swait.ge [sflag:s26], $0x50  }
0x84: {  	[sflag:s26] =	ssyncset.done $0x0  }
0x85: {  	[sflag:s26] =	ssyncadd.s32 $0xFFFFFFB0  }
0x86: {  	_ =	swait.ge [sflag:s28], $0x50  }
0x87: {  	[sflag:s28] =	ssyncset.done $0x0  }
0x88: {  	[sflag:s28] =	ssyncadd.s32 $0xFFFFFFB0  }
0x89: {  	[spmem:s2] =	stream.indirect.scatter.add.f32 [tilespmem:s12], [sflag:$0x9], $0x1, s29, s11, $0xb8;
	[tilespmem:$0x4300] =	vst v63  }
0x8a: {  	_ =	swait.ge [sflag:s8], $0x50  }
0x8b: {  	[sflag:s8] =	ssyncset.done $0x0  }
0x8c: {  	[sflag:s8] =	ssyncadd.s32 $0xFFFFFFB0  }
0x8d: {  	[spmem:s2] =	stream.indirect.scatter.add.f32 [tilespmem:s12], [sflag:$0x9], $0x1, s30, s11, $0xb8;
	[tilespmem:$0x4300] =	vst v63  }
0x8e: {  	_ =	swait.ge [sflag:s8], $0x50  }
0x8f: {  	[sflag:s8] =	ssyncset.done $0x0  }
0x90: {  	[sflag:s8] =	ssyncadd.s32 $0xFFFFFFB0  }
0x91: {  	[spmem:s2] =	stream.indirect.scatter.add.f32 [tilespmem:s12], [sflag:$0x9], $0x1, s31, s11, $0xb8;
	[tilespmem:$0x4300] =	vst v63  }
0x92: {  	_ =	swait.ge [sflag:s8], $0x50  }
0x93: {  	[sflag:s8] =	ssyncset.done $0x0  }
0x94: {  	[sflag:s8] =	ssyncadd.s32 $0xFFFFFFB0  }
0x95: {  	[spmem:s2] =	stream.indirect.scatter.add.f32 [tilespmem:s12], [sflag:$0x9], $0x1, s1, s11, $0xb8;
	[tilespmem:$0x4300] =	vst v63  }
0x96: {  	_ =	swait.ge [sflag:s8], $0x50  }
0x97: {  	[sflag:s8] =	ssyncset.done $0x0  }
0x98: {  	[sflag:s8] =	ssyncadd.s32 $0xFFFFFFB0  }
0x99: {  	[spmem:s2] =	stream.indirect.scatter.add.f32 [tilespmem:s12], [sflag:$0x9], $0x1, s0, s11, $0xb8;
	[tilespmem:$0x4300] =	vst v63  }
0x9a: {  	_ =	swait.ge [sflag:s8], $0x50  }
0x9b: {  	s13 =	sadd.s32 $0x1, s13;
	[sflag:s8] =	ssyncset.done $0x0  }
0x9c: {  	p0 =	sne.s32 s13, s7;
	[sflag:s8] =	ssyncadd.s32 $0xFFFFFFB0  }
.Ltmp1:
0x9d: {  	[bflag:$0x0] =	sbarrier.arrive $0xFFFF;
	(pc) =	sbr.rel @p0 .LBB2_1-.Ltmp1, $4  }
0x9e: {  	[hbm:s6], [sflag:s9] =	dma.local [spmem:s10], $0x50  }
0x9f: {  	_ =	swait.ge [sflag:s8], $0x50  }
0xa0: {  	[sflag:s8] =	ssyncset.done $0x0  }
0xa1: {  	[sflag:s8] =	ssyncadd.s32 $0xFFFFFFB0  }
0xa2: {  	_ =	sfence.sel $0x180000  }
0xa3: {  	[bflag:$0x0] =	sbarrier.arrive $0xFFFF  }
0xa4: {  	_ =	strace $0x90000047  }
0xa5: {  	s0 =	stileid.u32;
	[bflag:$0x2] =	sbarrier.arrive $0xFFFF  }
0xa6: {  	p0 =	sne.s32 s0, $0x0;
	s0 =	rddreg [dreg:$0x3]  }
0xa7: {  	s0 =	sadd.s32 @!p0 $0x100000, s0  }
0xa8: {  	[sflag:s0] =	ssyncadd.tile.s32 @!p0 $0x1;
	_ =	shalt  }
.Lfunc_end2:
_tile_overlayer_lowered:
.L_overlay_start_2:
0xa9: {  	(tag) =	ssettag $0x2  }
0xaa: {  	s0 =	rddreg [dreg:$0x0];
	s2 =	stileid.u32  }
0xab: {  	s1 =	rddreg [dreg:$0x1];
	p0 =	sne.s32 s2, $0x0  }
0xac: {  	s3 =	rddreg [dreg:$0x2];
	[bflag:$0x3] =	sbarrier.arrive $0xFFFF;
	s2 =	simm.s32 @!p0 $0x1C09  }
0xad: {  	[timem:s3], [sflag:s2] =	dma.local @!p0 [hbm:s0], s1  }
0xae: {  	s0 =	simm.s32 @!p0 $0x9  }
0xaf: {  	_ =	swait.ge @!p0 [sflag:s0], s1  }
0xb0: {  	s1 =	ssub.s32 @!p0 $0x0, s1;
	[sflag:s0] =	ssyncset.done @!p0 $0x0  }
0xb1: {  	[sflag:s0] =	ssyncadd.s32 @!p0 s1  }
0xb2: {  	[bflag:$0x3] =	sbarrier.arrive $0xFFFF  }
0xb3: {  	_ =	shalt  }

</sc_bundles>
